<compile_context>
chip_gen: v7x
topology: tpu7x:2x2x1
jax: 0.10.2.dev20260603
libtpu: 0.0.44.dev20260713+nightly
codegen_flags: <defaults>
</compile_context>

<pallas_src>
import functools

import jax
import jax.numpy as jnp
from jax import lax
from jax.experimental import pallas as pl
from jax.experimental.pallas import tpu as pltpu
from jax.experimental.pallas import tpu_sc as plsc

N = 10000
E = 320000
D = 128
G = 64

NC = 2
NS = 16
NW = NC * NS

EW = E // NW
NK = 80
EPAD = NW * NK * 128
NPAD = 10240
RT = NPAD // NS

BR = 1000
NB = N // BR


def _sc_degree(dst):
    mesh = plsc.VectorSubcoreMesh(core_axis_name="c", subcore_axis_name="s")

    @functools.partial(
        pl.kernel,
        out_type=jax.ShapeDtypeStruct((NB * NW * BR,), jnp.float32),
        mesh=mesh,
        compiler_params=pltpu.CompilerParams(needs_layout_passes=False),
        scratch_types=[
            pltpu.VMEM((EW,), jnp.int32),
            pltpu.VMEM((N,), jnp.float32),
        ],
    )
    def k(dst_hbm, out_hbm, idx_v, hist_v):
        c = lax.axis_index("c")
        s = lax.axis_index("s")
        wid = c * NS + s
        z16 = jnp.zeros((16,), jnp.float32)

        def zero_body(i, carry):
            hist_v[pl.ds(i * 16, 16)] = z16
            return carry

        lax.fori_loop(0, N // 16, zero_body, 0)
        pltpu.sync_copy(dst_hbm.at[pl.ds(wid * EW, EW)], idx_v)
        ones16 = jnp.ones((16,), jnp.float32)

        def body(i, carry):
            iv = idx_v[pl.ds(i * 16, 16)]
            plsc.addupdate_scatter(hist_v, [iv], ones16)
            return carry

        lax.fori_loop(0, EW // 16, body, 0)
        for blk in range(NB):
            pltpu.sync_copy(hist_v.at[pl.ds(blk * BR, BR)],
                            out_hbm.at[pl.ds((blk * NW + wid) * BR, BR)])

    return k(dst).reshape(NB, NW, BR)


def _tc_hprime(x, W, degp):

    def body(x_ref, w_ref, dp_ref, hp_ref):
        deg = 1.0 + jnp.sum(dp_ref[0], axis=0)
        dinv = lax.rsqrt(deg)
        h = jnp.dot(x_ref[...], w_ref[...], preferred_element_type=jnp.float32)
        hp_ref[...] = h * dinv[:, None]

    return pl.pallas_call(
        body,
        grid=(NB,),
        in_specs=[
            pl.BlockSpec((BR, D), lambda j: (j, 0)),
            pl.BlockSpec((D, D), lambda j: (0, 0)),
            pl.BlockSpec((1, NW, BR), lambda j: (j, 0, 0)),
        ],
        out_specs=pl.BlockSpec((BR, D), lambda j: (j, 0)),
        out_shape=jax.ShapeDtypeStruct((N, D), jnp.float32),
    )(x, W, degp)


def _sc_scatter(hp, srcp, dstp):
    mesh = plsc.VectorSubcoreMesh(core_axis_name="c", subcore_axis_name="s")

    @functools.partial(
        pl.kernel,
        out_type=jax.ShapeDtypeStruct((NC, NPAD, D), jnp.float32),
        mesh=mesh,
        compiler_params=pltpu.CompilerParams(needs_layout_passes=False),
        scratch_types=[
            pltpu.VMEM((NK // 2, 128), jnp.int32),
            pltpu.VMEM((NK // 2, 128), jnp.int32),
            pltpu.VMEM((128, D), jnp.float32),
            pltpu.VMEM((128, D), jnp.float32),
            pltpu.VMEM_SHARED((NPAD, D), jnp.float32),
            pltpu.SemaphoreType.DMA,
            pltpu.SemaphoreType.DMA,
        ],
    )
    def k(hp_hbm, src_hbm, dst_hbm, out_hbm, srci, dsti, rows_a, rows_b,
          acc, sem_a, sem_b):
        c = lax.axis_index("c")
        s = lax.axis_index("s")
        wid = c * NS + s
        z16 = jnp.zeros((16,), jnp.float32)

        def zero_body(i, carry):
            rows_a[i // 8, pl.ds((i % 8) * 16, 16)] = z16
            return carry

        lax.fori_loop(0, 128 * (D // 16), zero_body, 0)
        lo = s * RT
        for t in range(RT // 128):
            pltpu.sync_copy(rows_a, acc.at[pl.ds(lo + t * 128, 128)])
        plsc.subcore_barrier()

        def gather(i, buf, sem):
            pltpu.async_copy(hp_hbm.at[srci.at[i]], buf, sem)

        def gwait(buf, sem):
            pltpu.make_async_copy(hp_hbm.at[srci.at[0]], buf, sem).wait()

        NKH = NK // 2
        for p in range(2):
            pltpu.sync_copy(src_hbm.at[pl.ds(wid * NK + p * NKH, NKH)], srci)
            pltpu.sync_copy(dst_hbm.at[pl.ds(wid * NK + p * NKH, NKH)], dsti)
            gather(0, rows_a, sem_a)

            def body(k2, carry):
                i = k2 * 2
                gather(i + 1, rows_b, sem_b)
                gwait(rows_a, sem_a)
                pltpu.sync_copy(rows_a, acc.at[dsti.at[i]], add=True)

                @pl.when(i + 2 < NKH)
                def _():
                    gather(i + 2, rows_a, sem_a)

                gwait(rows_b, sem_b)
                pltpu.sync_copy(rows_b, acc.at[dsti.at[i + 1]], add=True)
                return carry

            lax.fori_loop(0, NKH // 2, body, 0)

        plsc.subcore_barrier()
        pltpu.sync_copy(acc.at[pl.ds(lo, RT)], out_hbm.at[c, pl.ds(lo, RT)])

    return k(hp, srcp, dstp)


def _tc_norm(partials, hp, degp, batch_r, bvec, gw, gb, gms):

    def body(p_ref, hp_ref, dp_ref, bt_ref, b_ref, gw_ref, gb_ref, gms_ref,
             y_ref, outf, sums, sumsq, cnt, ms_s, rs_s):
        k = pl.program_id(0)
        j = pl.program_id(1)

        @pl.when(jnp.logical_and(k == 0, j == 0))
        def _():
            sums[...] = jnp.zeros_like(sums)
            sumsq[...] = jnp.zeros_like(sumsq)
            cnt[...] = jnp.zeros_like(cnt)

        bt = bt_ref[0, 0, :]
        gids = lax.broadcasted_iota(jnp.int32, (G, BR), 0)
        onehot = (gids == bt[None, :]).astype(jnp.float32)

        @pl.when(k == 0)
        def _():
            deg = 1.0 + jnp.sum(dp_ref[0], axis=0)
            dinv = lax.rsqrt(deg)
            outb = (p_ref[0] + p_ref[1] + hp_ref[...]) * dinv[:, None] \
                + b_ref[0, :][None, :]
            outf[pl.ds(j * BR, BR), :] = outb
            sums[...] += jnp.dot(onehot, outb, preferred_element_type=jnp.float32)
            sumsq[...] += jnp.dot(onehot, outb * outb,
                                  preferred_element_type=jnp.float32)
            cnt[...] += jnp.sum(onehot, axis=1)[:, None]

        @pl.when(k == 1)
        def _():
            @pl.when(j == 0)
            def _():
                cc = jnp.maximum(cnt[...], 1.0)
                mean = sums[...] / cc
                g = gms_ref[0, :][None, :]
                var = sumsq[...] / cc - (2.0 * g - g * g) * mean * mean
                ms_s[...] = mean * g
                rs_s[...] = lax.rsqrt(var + 1e-5)

            outb = outf[pl.ds(j * BR, BR), :]
            msb = lax.dot_general(onehot, ms_s[...], (((0,), (0,)), ((), ())),
                                  preferred_element_type=jnp.float32)
            rsb = lax.dot_general(onehot, rs_s[...], (((0,), (0,)), ((), ())),
                                  preferred_element_type=jnp.float32)
            y = gw_ref[0, :][None, :] * (outb - msb) * rsb + gb_ref[0, :][None, :]
            y_ref[...] = jnp.maximum(y, 0.0)

    return pl.pallas_call(
        body,
        grid=(2, NB),
        in_specs=[
            pl.BlockSpec((NC, BR, D), lambda k, j: (0, j, 0)),
            pl.BlockSpec((BR, D), lambda k, j: (j, 0)),
            pl.BlockSpec((1, NW, BR), lambda k, j: (j, 0, 0)),
            pl.BlockSpec((1, 1, BR), lambda k, j: (j, 0, 0)),
            pl.BlockSpec((1, D), lambda k, j: (0, 0)),
            pl.BlockSpec((1, D), lambda k, j: (0, 0)),
            pl.BlockSpec((1, D), lambda k, j: (0, 0)),
            pl.BlockSpec((1, D), lambda k, j: (0, 0)),
        ],
        out_specs=pl.BlockSpec((BR, D), lambda k, j: (j, 0)),
        out_shape=jax.ShapeDtypeStruct((N, D), jnp.float32),
        scratch_shapes=[
            pltpu.VMEM((N, D), jnp.float32),
            pltpu.VMEM((G, D), jnp.float32),
            pltpu.VMEM((G, D), jnp.float32),
            pltpu.VMEM((G, D), jnp.float32),
            pltpu.VMEM((G, D), jnp.float32),
            pltpu.VMEM((G, D), jnp.float32),
        ],
    )(partials, hp, degp, batch_r, bvec, gw, gb, gms)


def kernel(x, W, b, gn_weight, gn_bias, gn_mean_scale, edge_index, batch):
    src = edge_index[0]
    dst = edge_index[1]
    degp = _sc_degree(dst)
    hp = _tc_hprime(x, W, degp)
    pad = EPAD - E
    srcp = jnp.concatenate([src, jnp.zeros((pad,), jnp.int32)]).reshape(NW * NK, 128)
    trash = N + (jnp.arange(pad, dtype=jnp.int32) % (NPAD - N))
    dstp = jnp.concatenate([dst, trash]).reshape(NW * NK, 128)
    partials = _sc_scatter(hp, srcp, dstp)
    batch_r = batch.reshape(NB, 1, BR)
    return _tc_norm(partials, hp, degp, batch_r,
                    b.reshape(1, D), gn_weight.reshape(1, D),
                    gn_bias.reshape(1, D), gn_mean_scale.reshape(1, D))

# --- scband reference (transcript-rebuilt; emitter-appended) ---
"""Pipeline reference for scband-graph-conv-bn-44633300140134 (READ-ONLY COPY).

The authoritative reference and input builder live on the scoring server;
editing this copy changes nothing except your own understanding.
"""

import jax, jax.numpy as jnp
import numpy as np

N = 10000
E = 320000
D = 128
G = 64


def setup_inputs(seed: int = 0) -> dict:
    key = jax.random.key(seed)
    ks = jax.random.split(key, 8)
    x = jax.random.normal(ks[0], (N, D), dtype=jnp.float32)
    edge_index = jax.random.randint(ks[1], (2, E), 0, N, dtype=jnp.int32)
    batch = jnp.sort(jax.random.randint(ks[2], (N,), 0, G, dtype=jnp.int32))
    W = jax.random.normal(ks[3], (D, D), dtype=jnp.float32) * (1.0 / np.sqrt(D))
    b = jnp.zeros((D,), dtype=jnp.float32)
    gn_weight = jnp.ones((D,), dtype=jnp.float32)
    gn_bias = jnp.zeros((D,), dtype=jnp.float32)
    gn_mean_scale = jnp.ones((D,), dtype=jnp.float32)
    return {"x": x, "W": W, "b": b, "gn_weight": gn_weight, "gn_bias": gn_bias,
            "gn_mean_scale": gn_mean_scale, "edge_index": edge_index, "batch": batch}


def reference(x, W, b, gn_weight, gn_bias, gn_mean_scale, edge_index, batch):
    n = x.shape[0]
    # ---- GCNConv (normalize=True, add_self_loops=True) ----
    loop = jnp.arange(n, dtype=edge_index.dtype)
    src = jnp.concatenate([edge_index[0], loop])
    dst = jnp.concatenate([edge_index[1], loop])
    deg = jnp.zeros((n,), dtype=jnp.float32).at[dst].add(1.0)
    deg_inv_sqrt = jnp.where(deg > 0, deg ** -0.5, 0.0)
    norm = deg_inv_sqrt[src] * deg_inv_sqrt[dst]
    h = x @ W
    msg = h[src] * norm[:, None]
    out = jnp.zeros_like(h).at[dst].add(msg) + b
    # ---- GraphNorm ----
    cnt = jax.ops.segment_sum(jnp.ones((n,), dtype=jnp.float32), batch, num_segments=G)
    cnt = jnp.maximum(cnt, 1.0)
    mean = jax.ops.segment_sum(out, batch, num_segments=G) / cnt[:, None]
    centered = out - mean[batch] * gn_mean_scale
    var = jax.ops.segment_sum(centered * centered, batch, num_segments=G) / cnt[:, None]
    std = jnp.sqrt(var + 1e-5)
    y = gn_weight * centered / std[batch] + gn_bias
    # ---- ReLU ----
    return jax.nn.relu(y)

if __name__ == "__main__":
    import jax
    _d = setup_inputs()
    print(jax.jit(kernel)(*tuple(_d.values())))

</pallas_src>

<mosaic_0001>
#map = affine_map<(d0, d1) -> (0)>
module attributes {stable_mosaic.version = 14 : i64} {
  func.func @k(%arg0: i32, %arg1: i32, %arg2: memref<320000xi32, #tpu.memory_space<hbm>>, %arg3: memref<320000xf32, #tpu.memory_space<hbm>>, %arg4: memref<10000xi32, #tpu.memory_space<vmem>>, %arg5: memref<10000xf32, #tpu.memory_space<vmem>>) attributes {dimension_semantics = [#tpu.dimension_semantics<core_parallel>, #tpu.dimension_semantics<subcore_parallel>], iteration_bounds = array<i64: 2, 16>, scalar_prefetch = 0 : i64, scratch_operands = 2 : i64, tpu.core_type = #tpu.core_type<sc_vector_subcore>, window_params = [{transform_indices = #map}, {transform_indices = #map}]} {
    %mul3A = arith.constant 16 : i32
    %mul3A_0 = arith.muli %arg0, %mul3A : i32
    %add3A = arith.addi %mul3A_0, %arg1 : i32
    %broadcast_in_dim3A = arith.constant 0.000000e+00 : f32
    %broadcast_in_dim3A_1 = vector.broadcast %broadcast_in_dim3A : f32 to vector<16xf32>
    %scan3A = arith.constant 0 : i32
    %scan3A_2 = arith.constant 0 : i32
    %scan3A_3 = arith.constant 625 : i32
    %scan3A_4 = arith.addi %scan3A_2, %scan3A_3 : i32
    %scan3A_5 = arith.constant 1 : i32
    scf.for %scan3A_57 = %scan3A_2 to %scan3A_4 step %scan3A_5  : i32 {
      %mul3A_58 = arith.constant 16 : i32
      %mul3A_59 = arith.muli %scan3A_57, %mul3A_58 : i32
      %swap3A = arith.index_cast %mul3A_59 : i32 to index
      %swap3A_60 = tpu.vector_load %arg5[%swap3A] {strides = array<i32>} : memref<10000xf32, #tpu.memory_space<vmem>>, vector<16xf32>,
      tpu.vector_store %arg5[%swap3A], %broadcast_in_dim3A_1 {strides = array<i32>} : memref<10000xf32, #tpu.memory_space<vmem>>, vector<16xf32>,
    }
    %scan3A_6 = arith.constant 625 : i32
    %mul3A_7 = arith.constant 10000 : i32
    %mul3A_8 = arith.muli %add3A, %mul3A_7 : i32
    "tpu.region"() ({
      %run_scoped3A = tpu.sem_alloc : memref<!tpu.dma_semaphore, #tpu.memory_space<semaphore_mem>>
      %dma_start3A = tpu.memref_slice %arg2[%mul3A_8] : memref<320000xi32, #tpu.memory_space<hbm>> -> memref<10000xi32, #tpu.memory_space<hbm>>
      %dma_start3A_57 = tpu.memref_slice %arg2[%mul3A_8] : memref<320000xi32, #tpu.memory_space<hbm>> -> memref<10000xi32, #tpu.memory_space<hbm>>
      tpu.enqueue_dma source(%dma_start3A_57 : memref<10000xi32, #tpu.memory_space<hbm>>) target(%arg4 : memref<10000xi32, #tpu.memory_space<vmem>>) target_semaphore(%run_scoped3A : memref<!tpu.dma_semaphore, #tpu.memory_space<semaphore_mem>>)
      %dma_wait3A = tpu.memref_slice %arg2[%mul3A_8] : memref<320000xi32, #tpu.memory_space<hbm>> -> memref<10000xi32, #tpu.memory_space<hbm>>
      %dma_wait3A_58 = tpu.memref_slice %arg2[%mul3A_8] : memref<320000xi32, #tpu.memory_space<hbm>> -> memref<10000xi32, #tpu.memory_space<hbm>>
      tpu.wait_dma2 semaphore(%run_scoped3A : memref<!tpu.dma_semaphore, #tpu.memory_space<semaphore_mem>>) src(%dma_wait3A_58 : memref<10000xi32, #tpu.memory_space<hbm>>) dst(%arg4 : memref<10000xi32, #tpu.memory_space<vmem>>)
      tpu.yield
    }) : () -> ()
    %broadcast_in_dim3A_9 = arith.constant 1.000000e+00 : f32
    %broadcast_in_dim3A_10 = vector.broadcast %broadcast_in_dim3A_9 : f32 to vector<16xf32>
    %scan3A_11 = arith.constant 0 : i32
    %scan3A_12 = arith.constant 0 : i32
    %scan3A_13 = arith.constant 625 : i32
    %scan3A_14 = arith.addi %scan3A_12, %scan3A_13 : i32
    %scan3A_15 = arith.constant 1 : i32
    scf.for %scan3A_57 = %scan3A_12 to %scan3A_14 step %scan3A_15  : i32 {
      %mul3A_58 = arith.constant 16 : i32
      %mul3A_59 = arith.muli %scan3A_57, %mul3A_58 : i32
      %get3A = arith.index_cast %mul3A_59 : i32 to index
      %get3A_60 = tpu.vector_load %arg4[%get3A] {strides = array<i32>} : memref<10000xi32, #tpu.memory_space<vmem>>, vector<16xi32>,
      tpu.vector_store_idx %arg5[%get3A_60], %broadcast_in_dim3A_10 {add = true} : memref<10000xf32, #tpu.memory_space<vmem>>[vector<16xi32>], vector<16xf32>,
    }
    %scan3A_16 = arith.constant 625 : i32
    %add3A_17 = arith.constant 0 : i32
    %add3A_18 = arith.addi %add3A_17, %add3A : i32
    %mul3A_19 = arith.constant 1000 : i32
    %mul3A_20 = arith.muli %add3A_18, %mul3A_19 : i32
    "tpu.region"() ({
      %run_scoped3A = tpu.sem_alloc : memref<!tpu.dma_semaphore, #tpu.memory_space<semaphore_mem>>
      %dma_start3A = arith.constant 0 : i32
      %dma_start3A_57 = tpu.memref_slice %arg5[%dma_start3A] : memref<10000xf32, #tpu.memory_space<vmem>> -> memref<1000xf32, #tpu.memory_space<vmem>>
      %dma_start3A_58 = tpu.memref_slice %arg3[%mul3A_20] : memref<320000xf32, #tpu.memory_space<hbm>> -> memref<1000xf32, #tpu.memory_space<hbm>>
      %dma_start3A_59 = tpu.memref_slice %arg3[%mul3A_20] : memref<320000xf32, #tpu.memory_space<hbm>> -> memref<1000xf32, #tpu.memory_space<hbm>>
      %dma_start3A_60 = arith.constant 0 : i32
      %dma_start3A_61 = tpu.memref_slice %arg5[%dma_start3A_60] : memref<10000xf32, #tpu.memory_space<vmem>> -> memref<1000xf32, #tpu.memory_space<vmem>>
      tpu.enqueue_dma source(%dma_start3A_61 : memref<1000xf32, #tpu.memory_space<vmem>>) target(%dma_start3A_59 : memref<1000xf32, #tpu.memory_space<hbm>>) target_semaphore(%run_scoped3A : memref<!tpu.dma_semaphore, #tpu.memory_space<semaphore_mem>>)
      %dma_wait3A = arith.constant 0 : i32
      %dma_wait3A_62 = tpu.memref_slice %arg5[%dma_wait3A] : memref<10000xf32, #tpu.memory_space<vmem>> -> memref<1000xf32, #tpu.memory_space<vmem>>
      %dma_wait3A_63 = tpu.memref_slice %arg3[%mul3A_20] : memref<320000xf32, #tpu.memory_space<hbm>> -> memref<1000xf32, #tpu.memory_space<hbm>>
      %dma_wait3A_64 = tpu.memref_slice %arg3[%mul3A_20] : memref<320000xf32, #tpu.memory_space<hbm>> -> memref<1000xf32, #tpu.memory_space<hbm>>
      %dma_wait3A_65 = arith.constant 0 : i32
      %dma_wait3A_66 = tpu.memref_slice %arg5[%dma_wait3A_65] : memref<10000xf32, #tpu.memory_space<vmem>> -> memref<1000xf32, #tpu.memory_space<vmem>>
      tpu.wait_dma2 semaphore(%run_scoped3A : memref<!tpu.dma_semaphore, #tpu.memory_space<semaphore_mem>>) src(%dma_wait3A_66 : memref<1000xf32, #tpu.memory_space<vmem>>) dst(%dma_wait3A_64 : memref<1000xf32, #tpu.memory_space<hbm>>)
      tpu.yield
    }) : () -> ()
    %add3A_21 = arith.constant 32 : i32
    %add3A_22 = arith.addi %add3A_21, %add3A : i32
    %mul3A_23 = arith.constant 1000 : i32
    %mul3A_24 = arith.muli %add3A_22, %mul3A_23 : i32
    "tpu.region"() ({
      %run_scoped3A = tpu.sem_alloc : memref<!tpu.dma_semaphore, #tpu.memory_space<semaphore_mem>>
      %dma_start3A = arith.constant 1000 : i32
      %dma_start3A_57 = tpu.memref_slice %arg5[%dma_start3A] : memref<10000xf32, #tpu.memory_space<vmem>> -> memref<1000xf32, #tpu.memory_space<vmem>>
      %dma_start3A_58 = tpu.memref_slice %arg3[%mul3A_24] : memref<320000xf32, #tpu.memory_space<hbm>> -> memref<1000xf32, #tpu.memory_space<hbm>>
      %dma_start3A_59 = tpu.memref_slice %arg3[%mul3A_24] : memref<320000xf32, #tpu.memory_space<hbm>> -> memref<1000xf32, #tpu.memory_space<hbm>>
      %dma_start3A_60 = arith.constant 1000 : i32
      %dma_start3A_61 = tpu.memref_slice %arg5[%dma_start3A_60] : memref<10000xf32, #tpu.memory_space<vmem>> -> memref<1000xf32, #tpu.memory_space<vmem>>
      tpu.enqueue_dma source(%dma_start3A_61 : memref<1000xf32, #tpu.memory_space<vmem>>) target(%dma_start3A_59 : memref<1000xf32, #tpu.memory_space<hbm>>) target_semaphore(%run_scoped3A : memref<!tpu.dma_semaphore, #tpu.memory_space<semaphore_mem>>)
      %dma_wait3A = arith.constant 1000 : i32
      %dma_wait3A_62 = tpu.memref_slice %arg5[%dma_wait3A] : memref<10000xf32, #tpu.memory_space<vmem>> -> memref<1000xf32, #tpu.memory_space<vmem>>
      %dma_wait3A_63 = tpu.memref_slice %arg3[%mul3A_24] : memref<320000xf32, #tpu.memory_space<hbm>> -> memref<1000xf32, #tpu.memory_space<hbm>>
      %dma_wait3A_64 = tpu.memref_slice %arg3[%mul3A_24] : memref<320000xf32, #tpu.memory_space<hbm>> -> memref<1000xf32, #tpu.memory_space<hbm>>
      %dma_wait3A_65 = arith.constant 1000 : i32
      %dma_wait3A_66 = tpu.memref_slice %arg5[%dma_wait3A_65] : memref<10000xf32, #tpu.memory_space<vmem>> -> memref<1000xf32, #tpu.memory_space<vmem>>
      tpu.wait_dma2 semaphore(%run_scoped3A : memref<!tpu.dma_semaphore, #tpu.memory_space<semaphore_mem>>) src(%dma_wait3A_66 : memref<1000xf32, #tpu.memory_space<vmem>>) dst(%dma_wait3A_64 : memref<1000xf32, #tpu.memory_space<hbm>>)
      tpu.yield
    }) : () -> ()
    %add3A_25 = arith.constant 64 : i32
    %add3A_26 = arith.addi %add3A_25, %add3A : i32
    %mul3A_27 = arith.constant 1000 : i32
    %mul3A_28 = arith.muli %add3A_26, %mul3A_27 : i32
    "tpu.region"() ({
      %run_scoped3A = tpu.sem_alloc : memref<!tpu.dma_semaphore, #tpu.memory_space<semaphore_mem>>
      %dma_start3A = arith.constant 2000 : i32
      %dma_start3A_57 = tpu.memref_slice %arg5[%dma_start3A] : memref<10000xf32, #tpu.memory_space<vmem>> -> memref<1000xf32, #tpu.memory_space<vmem>>
      %dma_start3A_58 = tpu.memref_slice %arg3[%mul3A_28] : memref<320000xf32, #tpu.memory_space<hbm>> -> memref<1000xf32, #tpu.memory_space<hbm>>
      %dma_start3A_59 = tpu.memref_slice %arg3[%mul3A_28] : memref<320000xf32, #tpu.memory_space<hbm>> -> memref<1000xf32, #tpu.memory_space<hbm>>
      %dma_start3A_60 = arith.constant 2000 : i32
      %dma_start3A_61 = tpu.memref_slice %arg5[%dma_start3A_60] : memref<10000xf32, #tpu.memory_space<vmem>> -> memref<1000xf32, #tpu.memory_space<vmem>>
      tpu.enqueue_dma source(%dma_start3A_61 : memref<1000xf32, #tpu.memory_space<vmem>>) target(%dma_start3A_59 : memref<1000xf32, #tpu.memory_space<hbm>>) target_semaphore(%run_scoped3A : memref<!tpu.dma_semaphore, #tpu.memory_space<semaphore_mem>>)
      %dma_wait3A = arith.constant 2000 : i32
      %dma_wait3A_62 = tpu.memref_slice %arg5[%dma_wait3A] : memref<10000xf32, #tpu.memory_space<vmem>> -> memref<1000xf32, #tpu.memory_space<vmem>>
      %dma_wait3A_63 = tpu.memref_slice %arg3[%mul3A_28] : memref<320000xf32, #tpu.memory_space<hbm>> -> memref<1000xf32, #tpu.memory_space<hbm>>
      %dma_wait3A_64 = tpu.memref_slice %arg3[%mul3A_28] : memref<320000xf32, #tpu.memory_space<hbm>> -> memref<1000xf32, #tpu.memory_space<hbm>>
      %dma_wait3A_65 = arith.constant 2000 : i32
      %dma_wait3A_66 = tpu.memref_slice %arg5[%dma_wait3A_65] : memref<10000xf32, #tpu.memory_space<vmem>> -> memref<1000xf32, #tpu.memory_space<vmem>>
      tpu.wait_dma2 semaphore(%run_scoped3A : memref<!tpu.dma_semaphore, #tpu.memory_space<semaphore_mem>>) src(%dma_wait3A_66 : memref<1000xf32, #tpu.memory_space<vmem>>) dst(%dma_wait3A_64 : memref<1000xf32, #tpu.memory_space<hbm>>)
      tpu.yield
    }) : () -> ()
    %add3A_29 = arith.constant 96 : i32
    %add3A_30 = arith.addi %add3A_29, %add3A : i32
    %mul3A_31 = arith.constant 1000 : i32
    %mul3A_32 = arith.muli %add3A_30, %mul3A_31 : i32
    "tpu.region"() ({
      %run_scoped3A = tpu.sem_alloc : memref<!tpu.dma_semaphore, #tpu.memory_space<semaphore_mem>>
      %dma_start3A = arith.constant 3000 : i32
      %dma_start3A_57 = tpu.memref_slice %arg5[%dma_start3A] : memref<10000xf32, #tpu.memory_space<vmem>> -> memref<1000xf32, #tpu.memory_space<vmem>>
      %dma_start3A_58 = tpu.memref_slice %arg3[%mul3A_32] : memref<320000xf32, #tpu.memory_space<hbm>> -> memref<1000xf32, #tpu.memory_space<hbm>>
      %dma_start3A_59 = tpu.memref_slice %arg3[%mul3A_32] : memref<320000xf32, #tpu.memory_space<hbm>> -> memref<1000xf32, #tpu.memory_space<hbm>>
      %dma_start3A_60 = arith.constant 3000 : i32
      %dma_start3A_61 = tpu.memref_slice %arg5[%dma_start3A_60] : memref<10000xf32, #tpu.memory_space<vmem>> -> memref<1000xf32, #tpu.memory_space<vmem>>
      tpu.enqueue_dma source(%dma_start3A_61 : memref<1000xf32, #tpu.memory_space<vmem>>) target(%dma_start3A_59 : memref<1000xf32, #tpu.memory_space<hbm>>) target_semaphore(%run_scoped3A : memref<!tpu.dma_semaphore, #tpu.memory_space<semaphore_mem>>)
      %dma_wait3A = arith.constant 3000 : i32
      %dma_wait3A_62 = tpu.memref_slice %arg5[%dma_wait3A] : memref<10000xf32, #tpu.memory_space<vmem>> -> memref<1000xf32, #tpu.memory_space<vmem>>
      %dma_wait3A_63 = tpu.memref_slice %arg3[%mul3A_32] : memref<320000xf32, #tpu.memory_space<hbm>> -> memref<1000xf32, #tpu.memory_space<hbm>>
      %dma_wait3A_64 = tpu.memref_slice %arg3[%mul3A_32] : memref<320000xf32, #tpu.memory_space<hbm>> -> memref<1000xf32, #tpu.memory_space<hbm>>
      %dma_wait3A_65 = arith.constant 3000 : i32
      %dma_wait3A_66 = tpu.memref_slice %arg5[%dma_wait3A_65] : memref<10000xf32, #tpu.memory_space<vmem>> -> memref<1000xf32, #tpu.memory_space<vmem>>
      tpu.wait_dma2 semaphore(%run_scoped3A : memref<!tpu.dma_semaphore, #tpu.memory_space<semaphore_mem>>) src(%dma_wait3A_66 : memref<1000xf32, #tpu.memory_space<vmem>>) dst(%dma_wait3A_64 : memref<1000xf32, #tpu.memory_space<hbm>>)
      tpu.yield
    }) : () -> ()
    %add3A_33 = arith.constant 128 : i32
    %add3A_34 = arith.addi %add3A_33, %add3A : i32
    %mul3A_35 = arith.constant 1000 : i32
    %mul3A_36 = arith.muli %add3A_34, %mul3A_35 : i32
    "tpu.region"() ({
      %run_scoped3A = tpu.sem_alloc : memref<!tpu.dma_semaphore, #tpu.memory_space<semaphore_mem>>
      %dma_start3A = arith.constant 4000 : i32
      %dma_start3A_57 = tpu.memref_slice %arg5[%dma_start3A] : memref<10000xf32, #tpu.memory_space<vmem>> -> memref<1000xf32, #tpu.memory_space<vmem>>
      %dma_start3A_58 = tpu.memref_slice %arg3[%mul3A_36] : memref<320000xf32, #tpu.memory_space<hbm>> -> memref<1000xf32, #tpu.memory_space<hbm>>
      %dma_start3A_59 = tpu.memref_slice %arg3[%mul3A_36] : memref<320000xf32, #tpu.memory_space<hbm>> -> memref<1000xf32, #tpu.memory_space<hbm>>
      %dma_start3A_60 = arith.constant 4000 : i32
      %dma_start3A_61 = tpu.memref_slice %arg5[%dma_start3A_60] : memref<10000xf32, #tpu.memory_space<vmem>> -> memref<1000xf32, #tpu.memory_space<vmem>>
      tpu.enqueue_dma source(%dma_start3A_61 : memref<1000xf32, #tpu.memory_space<vmem>>) target(%dma_start3A_59 : memref<1000xf32, #tpu.memory_space<hbm>>) target_semaphore(%run_scoped3A : memref<!tpu.dma_semaphore, #tpu.memory_space<semaphore_mem>>)
      %dma_wait3A = arith.constant 4000 : i32
      %dma_wait3A_62 = tpu.memref_slice %arg5[%dma_wait3A] : memref<10000xf32, #tpu.memory_space<vmem>> -> memref<1000xf32, #tpu.memory_space<vmem>>
      %dma_wait3A_63 = tpu.memref_slice %arg3[%mul3A_36] : memref<320000xf32, #tpu.memory_space<hbm>> -> memref<1000xf32, #tpu.memory_space<hbm>>
      %dma_wait3A_64 = tpu.memref_slice %arg3[%mul3A_36] : memref<320000xf32, #tpu.memory_space<hbm>> -> memref<1000xf32, #tpu.memory_space<hbm>>
      %dma_wait3A_65 = arith.constant 4000 : i32
      %dma_wait3A_66 = tpu.memref_slice %arg5[%dma_wait3A_65] : memref<10000xf32, #tpu.memory_space<vmem>> -> memref<1000xf32, #tpu.memory_space<vmem>>
      tpu.wait_dma2 semaphore(%run_scoped3A : memref<!tpu.dma_semaphore, #tpu.memory_space<semaphore_mem>>) src(%dma_wait3A_66 : memref<1000xf32, #tpu.memory_space<vmem>>) dst(%dma_wait3A_64 : memref<1000xf32, #tpu.memory_space<hbm>>)
      tpu.yield
    }) : () -> ()
    %add3A_37 = arith.constant 160 : i32
    %add3A_38 = arith.addi %add3A_37, %add3A : i32
    %mul3A_39 = arith.constant 1000 : i32
    %mul3A_40 = arith.muli %add3A_38, %mul3A_39 : i32
    "tpu.region"() ({
      %run_scoped3A = tpu.sem_alloc : memref<!tpu.dma_semaphore, #tpu.memory_space<semaphore_mem>>
      %dma_start3A = arith.constant 5000 : i32
      %dma_start3A_57 = tpu.memref_slice %arg5[%dma_start3A] : memref<10000xf32, #tpu.memory_space<vmem>> -> memref<1000xf32, #tpu.memory_space<vmem>>
      %dma_start3A_58 = tpu.memref_slice %arg3[%mul3A_40] : memref<320000xf32, #tpu.memory_space<hbm>> -> memref<1000xf32, #tpu.memory_space<hbm>>
      %dma_start3A_59 = tpu.memref_slice %arg3[%mul3A_40] : memref<320000xf32, #tpu.memory_space<hbm>> -> memref<1000xf32, #tpu.memory_space<hbm>>
      %dma_start3A_60 = arith.constant 5000 : i32
      %dma_start3A_61 = tpu.memref_slice %arg5[%dma_start3A_60] : memref<10000xf32, #tpu.memory_space<vmem>> -> memref<1000xf32, #tpu.memory_space<vmem>>
      tpu.enqueue_dma source(%dma_start3A_61 : memref<1000xf32, #tpu.memory_space<vmem>>) target(%dma_start3A_59 : memref<1000xf32, #tpu.memory_space<hbm>>) target_semaphore(%run_scoped3A : memref<!tpu.dma_semaphore, #tpu.memory_space<semaphore_mem>>)
      %dma_wait3A = arith.constant 5000 : i32
      %dma_wait3A_62 = tpu.memref_slice %arg5[%dma_wait3A] : memref<10000xf32, #tpu.memory_space<vmem>> -> memref<1000xf32, #tpu.memory_space<vmem>>
      %dma_wait3A_63 = tpu.memref_slice %arg3[%mul3A_40] : memref<320000xf32, #tpu.memory_space<hbm>> -> memref<1000xf32, #tpu.memory_space<hbm>>
      %dma_wait3A_64 = tpu.memref_slice %arg3[%mul3A_40] : memref<320000xf32, #tpu.memory_space<hbm>> -> memref<1000xf32, #tpu.memory_space<hbm>>
      %dma_wait3A_65 = arith.constant 5000 : i32
      %dma_wait3A_66 = tpu.memref_slice %arg5[%dma_wait3A_65] : memref<10000xf32, #tpu.memory_space<vmem>> -> memref<1000xf32, #tpu.memory_space<vmem>>
      tpu.wait_dma2 semaphore(%run_scoped3A : memref<!tpu.dma_semaphore, #tpu.memory_space<semaphore_mem>>) src(%dma_wait3A_66 : memref<1000xf32, #tpu.memory_space<vmem>>) dst(%dma_wait3A_64 : memref<1000xf32, #tpu.memory_space<hbm>>)
      tpu.yield
    }) : () -> ()
    %add3A_41 = arith.constant 192 : i32
    %add3A_42 = arith.addi %add3A_41, %add3A : i32
    %mul3A_43 = arith.constant 1000 : i32
    %mul3A_44 = arith.muli %add3A_42, %mul3A_43 : i32
    "tpu.region"() ({
      %run_scoped3A = tpu.sem_alloc : memref<!tpu.dma_semaphore, #tpu.memory_space<semaphore_mem>>
      %dma_start3A = arith.constant 6000 : i32
      %dma_start3A_57 = tpu.memref_slice %arg5[%dma_start3A] : memref<10000xf32, #tpu.memory_space<vmem>> -> memref<1000xf32, #tpu.memory_space<vmem>>
      %dma_start3A_58 = tpu.memref_slice %arg3[%mul3A_44] : memref<320000xf32, #tpu.memory_space<hbm>> -> memref<1000xf32, #tpu.memory_space<hbm>>
      %dma_start3A_59 = tpu.memref_slice %arg3[%mul3A_44] : memref<320000xf32, #tpu.memory_space<hbm>> -> memref<1000xf32, #tpu.memory_space<hbm>>
      %dma_start3A_60 = arith.constant 6000 : i32
      %dma_start3A_61 = tpu.memref_slice %arg5[%dma_start3A_60] : memref<10000xf32, #tpu.memory_space<vmem>> -> memref<1000xf32, #tpu.memory_space<vmem>>
      tpu.enqueue_dma source(%dma_start3A_61 : memref<1000xf32, #tpu.memory_space<vmem>>) target(%dma_start3A_59 : memref<1000xf32, #tpu.memory_space<hbm>>) target_semaphore(%run_scoped3A : memref<!tpu.dma_semaphore, #tpu.memory_space<semaphore_mem>>)
      %dma_wait3A = arith.constant 6000 : i32
      %dma_wait3A_62 = tpu.memref_slice %arg5[%dma_wait3A] : memref<10000xf32, #tpu.memory_space<vmem>> -> memref<1000xf32, #tpu.memory_space<vmem>>
      %dma_wait3A_63 = tpu.memref_slice %arg3[%mul3A_44] : memref<320000xf32, #tpu.memory_space<hbm>> -> memref<1000xf32, #tpu.memory_space<hbm>>
      %dma_wait3A_64 = tpu.memref_slice %arg3[%mul3A_44] : memref<320000xf32, #tpu.memory_space<hbm>> -> memref<1000xf32, #tpu.memory_space<hbm>>
      %dma_wait3A_65 = arith.constant 6000 : i32
      %dma_wait3A_66 = tpu.memref_slice %arg5[%dma_wait3A_65] : memref<10000xf32, #tpu.memory_space<vmem>> -> memref<1000xf32, #tpu.memory_space<vmem>>
      tpu.wait_dma2 semaphore(%run_scoped3A : memref<!tpu.dma_semaphore, #tpu.memory_space<semaphore_mem>>) src(%dma_wait3A_66 : memref<1000xf32, #tpu.memory_space<vmem>>) dst(%dma_wait3A_64 : memref<1000xf32, #tpu.memory_space<hbm>>)
      tpu.yield
    }) : () -> ()
    %add3A_45 = arith.constant 224 : i32
    %add3A_46 = arith.addi %add3A_45, %add3A : i32
    %mul3A_47 = arith.constant 1000 : i32
    %mul3A_48 = arith.muli %add3A_46, %mul3A_47 : i32
    "tpu.region"() ({
      %run_scoped3A = tpu.sem_alloc : memref<!tpu.dma_semaphore, #tpu.memory_space<semaphore_mem>>
      %dma_start3A = arith.constant 7000 : i32
      %dma_start3A_57 = tpu.memref_slice %arg5[%dma_start3A] : memref<10000xf32, #tpu.memory_space<vmem>> -> memref<1000xf32, #tpu.memory_space<vmem>>
      %dma_start3A_58 = tpu.memref_slice %arg3[%mul3A_48] : memref<320000xf32, #tpu.memory_space<hbm>> -> memref<1000xf32, #tpu.memory_space<hbm>>
      %dma_start3A_59 = tpu.memref_slice %arg3[%mul3A_48] : memref<320000xf32, #tpu.memory_space<hbm>> -> memref<1000xf32, #tpu.memory_space<hbm>>
      %dma_start3A_60 = arith.constant 7000 : i32
      %dma_start3A_61 = tpu.memref_slice %arg5[%dma_start3A_60] : memref<10000xf32, #tpu.memory_space<vmem>> -> memref<1000xf32, #tpu.memory_space<vmem>>
      tpu.enqueue_dma source(%dma_start3A_61 : memref<1000xf32, #tpu.memory_space<vmem>>) target(%dma_start3A_59 : memref<1000xf32, #tpu.memory_space<hbm>>) target_semaphore(%run_scoped3A : memref<!tpu.dma_semaphore, #tpu.memory_space<semaphore_mem>>)
      %dma_wait3A = arith.constant 7000 : i32
      %dma_wait3A_62 = tpu.memref_slice %arg5[%dma_wait3A] : memref<10000xf32, #tpu.memory_space<vmem>> -> memref<1000xf32, #tpu.memory_space<vmem>>
      %dma_wait3A_63 = tpu.memref_slice %arg3[%mul3A_48] : memref<320000xf32, #tpu.memory_space<hbm>> -> memref<1000xf32, #tpu.memory_space<hbm>>
      %dma_wait3A_64 = tpu.memref_slice %arg3[%mul3A_48] : memref<320000xf32, #tpu.memory_space<hbm>> -> memref<1000xf32, #tpu.memory_space<hbm>>
      %dma_wait3A_65 = arith.constant 7000 : i32
      %dma_wait3A_66 = tpu.memref_slice %arg5[%dma_wait3A_65] : memref<10000xf32, #tpu.memory_space<vmem>> -> memref<1000xf32, #tpu.memory_space<vmem>>
      tpu.wait_dma2 semaphore(%run_scoped3A : memref<!tpu.dma_semaphore, #tpu.memory_space<semaphore_mem>>) src(%dma_wait3A_66 : memref<1000xf32, #tpu.memory_space<vmem>>) dst(%dma_wait3A_64 : memref<1000xf32, #tpu.memory_space<hbm>>)
      tpu.yield
    }) : () -> ()
    %add3A_49 = arith.constant 256 : i32
    %add3A_50 = arith.addi %add3A_49, %add3A : i32
    %mul3A_51 = arith.constant 1000 : i32
    %mul3A_52 = arith.muli %add3A_50, %mul3A_51 : i32
    "tpu.region"() ({
      %run_scoped3A = tpu.sem_alloc : memref<!tpu.dma_semaphore, #tpu.memory_space<semaphore_mem>>
      %dma_start3A = arith.constant 8000 : i32
      %dma_start3A_57 = tpu.memref_slice %arg5[%dma_start3A] : memref<10000xf32, #tpu.memory_space<vmem>> -> memref<1000xf32, #tpu.memory_space<vmem>>
      %dma_start3A_58 = tpu.memref_slice %arg3[%mul3A_52] : memref<320000xf32, #tpu.memory_space<hbm>> -> memref<1000xf32, #tpu.memory_space<hbm>>
      %dma_start3A_59 = tpu.memref_slice %arg3[%mul3A_52] : memref<320000xf32, #tpu.memory_space<hbm>> -> memref<1000xf32, #tpu.memory_space<hbm>>
      %dma_start3A_60 = arith.constant 8000 : i32
      %dma_start3A_61 = tpu.memref_slice %arg5[%dma_start3A_60] : memref<10000xf32, #tpu.memory_space<vmem>> -> memref<1000xf32, #tpu.memory_space<vmem>>
      tpu.enqueue_dma source(%dma_start3A_61 : memref<1000xf32, #tpu.memory_space<vmem>>) target(%dma_start3A_59 : memref<1000xf32, #tpu.memory_space<hbm>>) target_semaphore(%run_scoped3A : memref<!tpu.dma_semaphore, #tpu.memory_space<semaphore_mem>>)
      %dma_wait3A = arith.constant 8000 : i32
      %dma_wait3A_62 = tpu.memref_slice %arg5[%dma_wait3A] : memref<10000xf32, #tpu.memory_space<vmem>> -> memref<1000xf32, #tpu.memory_space<vmem>>
      %dma_wait3A_63 = tpu.memref_slice %arg3[%mul3A_52] : memref<320000xf32, #tpu.memory_space<hbm>> -> memref<1000xf32, #tpu.memory_space<hbm>>
      %dma_wait3A_64 = tpu.memref_slice %arg3[%mul3A_52] : memref<320000xf32, #tpu.memory_space<hbm>> -> memref<1000xf32, #tpu.memory_space<hbm>>
      %dma_wait3A_65 = arith.constant 8000 : i32
      %dma_wait3A_66 = tpu.memref_slice %arg5[%dma_wait3A_65] : memref<10000xf32, #tpu.memory_space<vmem>> -> memref<1000xf32, #tpu.memory_space<vmem>>
      tpu.wait_dma2 semaphore(%run_scoped3A : memref<!tpu.dma_semaphore, #tpu.memory_space<semaphore_mem>>) src(%dma_wait3A_66 : memref<1000xf32, #tpu.memory_space<vmem>>) dst(%dma_wait3A_64 : memref<1000xf32, #tpu.memory_space<hbm>>)
      tpu.yield
    }) : () -> ()
    %add3A_53 = arith.constant 288 : i32
    %add3A_54 = arith.addi %add3A_53, %add3A : i32
    %mul3A_55 = arith.constant 1000 : i32
    %mul3A_56 = arith.muli %add3A_54, %mul3A_55 : i32
    "tpu.region"() ({
      %run_scoped3A = tpu.sem_alloc : memref<!tpu.dma_semaphore, #tpu.memory_space<semaphore_mem>>
      %dma_start3A = arith.constant 9000 : i32
      %dma_start3A_57 = tpu.memref_slice %arg5[%dma_start3A] : memref<10000xf32, #tpu.memory_space<vmem>> -> memref<1000xf32, #tpu.memory_space<vmem>>
      %dma_start3A_58 = tpu.memref_slice %arg3[%mul3A_56] : memref<320000xf32, #tpu.memory_space<hbm>> -> memref<1000xf32, #tpu.memory_space<hbm>>
      %dma_start3A_59 = tpu.memref_slice %arg3[%mul3A_56] : memref<320000xf32, #tpu.memory_space<hbm>> -> memref<1000xf32, #tpu.memory_space<hbm>>
      %dma_start3A_60 = arith.constant 9000 : i32
      %dma_start3A_61 = tpu.memref_slice %arg5[%dma_start3A_60] : memref<10000xf32, #tpu.memory_space<vmem>> -> memref<1000xf32, #tpu.memory_space<vmem>>
      tpu.enqueue_dma source(%dma_start3A_61 : memref<1000xf32, #tpu.memory_space<vmem>>) target(%dma_start3A_59 : memref<1000xf32, #tpu.memory_space<hbm>>) target_semaphore(%run_scoped3A : memref<!tpu.dma_semaphore, #tpu.memory_space<semaphore_mem>>)
      %dma_wait3A = arith.constant 9000 : i32
      %dma_wait3A_62 = tpu.memref_slice %arg5[%dma_wait3A] : memref<10000xf32, #tpu.memory_space<vmem>> -> memref<1000xf32, #tpu.memory_space<vmem>>
      %dma_wait3A_63 = tpu.memref_slice %arg3[%mul3A_56] : memref<320000xf32, #tpu.memory_space<hbm>> -> memref<1000xf32, #tpu.memory_space<hbm>>
      %dma_wait3A_64 = tpu.memref_slice %arg3[%mul3A_56] : memref<320000xf32, #tpu.memory_space<hbm>> -> memref<1000xf32, #tpu.memory_space<hbm>>
      %dma_wait3A_65 = arith.constant 9000 : i32
      %dma_wait3A_66 = tpu.memref_slice %arg5[%dma_wait3A_65] : memref<10000xf32, #tpu.memory_space<vmem>> -> memref<1000xf32, #tpu.memory_space<vmem>>
      tpu.wait_dma2 semaphore(%run_scoped3A : memref<!tpu.dma_semaphore, #tpu.memory_space<semaphore_mem>>) src(%dma_wait3A_66 : memref<1000xf32, #tpu.memory_space<vmem>>) dst(%dma_wait3A_64 : memref<1000xf32, #tpu.memory_space<hbm>>)
      tpu.yield
    }) : () -> ()
    return
  }
}

#map = affine_map<(d0, d1) -> (0, 0)>
#map1 = affine_map<(d0, d1) -> (0, 0, 0)>
module attributes {stable_mosaic.version = 14 : i64} {
  func.func @k(%arg0: i32, %arg1: i32, %arg2: memref<10000x128xf32, #tpu.memory_space<hbm>>, %arg3: memref<2560x128xi32, #tpu.memory_space<hbm>>, %arg4: memref<2560x128xi32, #tpu.memory_space<hbm>>, %arg5: memref<2x10240x128xf32, #tpu.memory_space<hbm>>, %arg6: memref<40x128xi32, #tpu.memory_space<vmem>>, %arg7: memref<40x128xi32, #tpu.memory_space<vmem>>, %arg8: memref<128x128xf32, #tpu.memory_space<vmem>>, %arg9: memref<128x128xf32, #tpu.memory_space<vmem>>, %arg10: memref<10240x128xf32, #tpu.memory_space<vmem_shared>>, %arg11: memref<!tpu.dma_semaphore, #tpu.memory_space<semaphore_mem>>, %arg12: memref<!tpu.dma_semaphore, #tpu.memory_space<semaphore_mem>>) attributes {dimension_semantics = [#tpu.dimension_semantics<core_parallel>, #tpu.dimension_semantics<subcore_parallel>], iteration_bounds = array<i64: 2, 16>, scalar_prefetch = 0 : i64, scratch_operands = 7 : i64, tpu.core_type = #tpu.core_type<sc_vector_subcore>, window_params = [{transform_indices = #map}, {transform_indices = #map}, {transform_indices = #map}, {transform_indices = #map1}]} {
    %mul3A = arith.constant 16 : i32
    %mul3A_0 = arith.muli %arg0, %mul3A : i32
    %add3A = arith.addi %mul3A_0, %arg1 : i32
    %broadcast_in_dim3A = arith.constant 0.000000e+00 : f32
    %broadcast_in_dim3A_1 = vector.broadcast %broadcast_in_dim3A : f32 to vector<16xf32>
    %scan3A = arith.constant 0 : i32
    %scan3A_2 = arith.constant 0 : i32
    %scan3A_3 = arith.constant 1024 : i32
    %scan3A_4 = arith.addi %scan3A_2, %scan3A_3 : i32
    %scan3A_5 = arith.constant 1 : i32
    scf.for %scan3A_61 = %scan3A_2 to %scan3A_4 step %scan3A_5  : i32 {
      %jit3A = arith.constant 8 : i32
      %div3A = arith.divsi %scan3A_61, %jit3A : i32
      %sign3A = arith.constant 0 : i32
      %sign3A_62 = arith.cmpi sgt, %scan3A_61, %sign3A : i32
      %sign3A_63 = arith.extui %sign3A_62 : i1 to i32
      %sign3A_64 = arith.constant 0 : i32
      %sign3A_65 = arith.cmpi slt, %scan3A_61, %sign3A_64 : i32
      %sign3A_66 = arith.extui %sign3A_65 : i1 to i32
      %sign3A_67 = arith.subi %sign3A_63, %sign3A_66 : i32
      %sign3A_68 = arith.constant 0 : i32
      %sign3A_69 = arith.cmpi sgt, %jit3A, %sign3A_68 : i32
      %sign3A_70 = arith.extui %sign3A_69 : i1 to i32
      %sign3A_71 = arith.constant 0 : i32
      %sign3A_72 = arith.cmpi slt, %jit3A, %sign3A_71 : i32
      %sign3A_73 = arith.extui %sign3A_72 : i1 to i32
      %sign3A_74 = arith.subi %sign3A_70, %sign3A_73 : i32
      %ne3A = arith.cmpi ne, %sign3A_67, %sign3A_74 : i32
      %rem3A = arith.remsi %scan3A_61, %jit3A : i32
      %ne3A_75 = arith.constant 0 : i32
      %ne3A_76 = arith.cmpi ne, %rem3A, %ne3A_75 : i32
      %and3A = arith.andi %ne3A, %ne3A_76 : i1
      %sub3A = arith.constant 1 : i32
      %sub3A_77 = arith.subi %div3A, %sub3A : i32
      %select_n3A = arith.select %and3A, %sub3A_77, %div3A : i32
      %jit3A_78 = arith.constant 8 : i32
      %eq3A = arith.constant 0 : i32
      %eq3A_79 = arith.cmpi eq, %jit3A_78, %eq3A : i32
      %jit3A_80 = arith.constant 1 : i32
      %select_n3A_81 = arith.select %eq3A_79, %jit3A_80, %jit3A_78 : i32
      %rem3A_82 = arith.remsi %scan3A_61, %select_n3A_81 : i32
      %ne3A_83 = arith.constant 0 : i32
      %ne3A_84 = arith.cmpi ne, %rem3A_82, %ne3A_83 : i32
      %lt3A = arith.constant 0 : i32
      %lt3A_85 = arith.cmpi slt, %rem3A_82, %lt3A : i32
      %lt3A_86 = arith.constant 0 : i32
      %lt3A_87 = arith.cmpi slt, %select_n3A_81, %lt3A_86 : i32
      %ne3A_88 = arith.xori %lt3A_85, %lt3A_87 : i1
      %and3A_89 = arith.andi %ne3A_88, %ne3A_84 : i1
      %add3A_90 = arith.addi %rem3A_82, %select_n3A_81 : i32
      %select_n3A_91 = arith.select %and3A_89, %add3A_90, %rem3A_82 : i32
      %mul3A_92 = arith.constant 16 : i32
      %mul3A_93 = arith.muli %select_n3A_91, %mul3A_92 : i32
      %swap3A = arith.index_cast %select_n3A : i32 to index
      %swap3A_94 = arith.index_cast %mul3A_93 : i32 to index
      %swap3A_95 = tpu.vector_load %arg8[%swap3A, %swap3A_94] {strides = array<i32>} : memref<128x128xf32, #tpu.memory_space<vmem>>, vector<16xf32>,
      tpu.vector_store %arg8[%swap3A, %swap3A_94], %broadcast_in_dim3A_1 {strides = array<i32>} : memref<128x128xf32, #tpu.memory_space<vmem>>, vector<16xf32>,
    }
    %scan3A_6 = arith.constant 1024 : i32
    %mul3A_7 = arith.constant 640 : i32
    %mul3A_8 = arith.muli %arg1, %mul3A_7 : i32
    %add3A_9 = arith.constant 0 : i32
    %add3A_10 = arith.addi %mul3A_8, %add3A_9 : i32
    "tpu.region"() ({
      %run_scoped3A = tpu.sem_alloc : memref<!tpu.dma_semaphore, #tpu.memory_space<semaphore_mem>>
      %dma_start3A_61 = arith.constant 0 : i32
      %dma_start3A_62 = tpu.memref_slice %arg10[%add3A_10, %dma_start3A_61] : memref<10240x128xf32, #tpu.memory_space<vmem_shared>> -> memref<128x128xf32, #tpu.memory_space<vmem_shared>>
      %dma_start3A_63 = arith.constant 0 : i32
      %dma_start3A_64 = tpu.memref_slice %arg10[%add3A_10, %dma_start3A_63] : memref<10240x128xf32, #tpu.memory_space<vmem_shared>> -> memref<128x128xf32, #tpu.memory_space<vmem_shared>>
      tpu.enqueue_dma source(%arg8 : memref<128x128xf32, #tpu.memory_space<vmem>>) target(%dma_start3A_64 : memref<128x128xf32, #tpu.memory_space<vmem_shared>>) target_semaphore(%run_scoped3A : memref<!tpu.dma_semaphore, #tpu.memory_space<semaphore_mem>>)
      %dma_wait3A = arith.constant 0 : i32
      %dma_wait3A_65 = tpu.memref_slice %arg10[%add3A_10, %dma_wait3A] : memref<10240x128xf32, #tpu.memory_space<vmem_shared>> -> memref<128x128xf32, #tpu.memory_space<vmem_shared>>
      %dma_wait3A_66 = arith.constant 0 : i32
      %dma_wait3A_67 = tpu.memref_slice %arg10[%add3A_10, %dma_wait3A_66] : memref<10240x128xf32, #tpu.memory_space<vmem_shared>> -> memref<128x128xf32, #tpu.memory_space<vmem_shared>>
      tpu.wait_dma2 semaphore(%run_scoped3A : memref<!tpu.dma_semaphore, #tpu.memory_space<semaphore_mem>>) src(%arg8 : memref<128x128xf32, #tpu.memory_space<vmem>>) dst(%dma_wait3A_67 : memref<128x128xf32, #tpu.memory_space<vmem_shared>>)
      tpu.yield
    }) : () -> ()
    %add3A_11 = arith.constant 128 : i32
    %add3A_12 = arith.addi %mul3A_8, %add3A_11 : i32
    "tpu.region"() ({
      %run_scoped3A = tpu.sem_alloc : memref<!tpu.dma_semaphore, #tpu.memory_space<semaphore_mem>>
      %dma_start3A_61 = arith.constant 0 : i32
      %dma_start3A_62 = tpu.memref_slice %arg10[%add3A_12, %dma_start3A_61] : memref<10240x128xf32, #tpu.memory_space<vmem_shared>> -> memref<128x128xf32, #tpu.memory_space<vmem_shared>>
      %dma_start3A_63 = arith.constant 0 : i32
      %dma_start3A_64 = tpu.memref_slice %arg10[%add3A_12, %dma_start3A_63] : memref<10240x128xf32, #tpu.memory_space<vmem_shared>> -> memref<128x128xf32, #tpu.memory_space<vmem_shared>>
      tpu.enqueue_dma source(%arg8 : memref<128x128xf32, #tpu.memory_space<vmem>>) target(%dma_start3A_64 : memref<128x128xf32, #tpu.memory_space<vmem_shared>>) target_semaphore(%run_scoped3A : memref<!tpu.dma_semaphore, #tpu.memory_space<semaphore_mem>>)
      %dma_wait3A = arith.constant 0 : i32
      %dma_wait3A_65 = tpu.memref_slice %arg10[%add3A_12, %dma_wait3A] : memref<10240x128xf32, #tpu.memory_space<vmem_shared>> -> memref<128x128xf32, #tpu.memory_space<vmem_shared>>
      %dma_wait3A_66 = arith.constant 0 : i32
      %dma_wait3A_67 = tpu.memref_slice %arg10[%add3A_12, %dma_wait3A_66] : memref<10240x128xf32, #tpu.memory_space<vmem_shared>> -> memref<128x128xf32, #tpu.memory_space<vmem_shared>>
      tpu.wait_dma2 semaphore(%run_scoped3A : memref<!tpu.dma_semaphore, #tpu.memory_space<semaphore_mem>>) src(%arg8 : memref<128x128xf32, #tpu.memory_space<vmem>>) dst(%dma_wait3A_67 : memref<128x128xf32, #tpu.memory_space<vmem_shared>>)
      tpu.yield
    }) : () -> ()
    %add3A_13 = arith.constant 256 : i32
    %add3A_14 = arith.addi %mul3A_8, %add3A_13 : i32
    "tpu.region"() ({
      %run_scoped3A = tpu.sem_alloc : memref<!tpu.dma_semaphore, #tpu.memory_space<semaphore_mem>>
      %dma_start3A_61 = arith.constant 0 : i32
      %dma_start3A_62 = tpu.memref_slice %arg10[%add3A_14, %dma_start3A_61] : memref<10240x128xf32, #tpu.memory_space<vmem_shared>> -> memref<128x128xf32, #tpu.memory_space<vmem_shared>>
      %dma_start3A_63 = arith.constant 0 : i32
      %dma_start3A_64 = tpu.memref_slice %arg10[%add3A_14, %dma_start3A_63] : memref<10240x128xf32, #tpu.memory_space<vmem_shared>> -> memref<128x128xf32, #tpu.memory_space<vmem_shared>>
      tpu.enqueue_dma source(%arg8 : memref<128x128xf32, #tpu.memory_space<vmem>>) target(%dma_start3A_64 : memref<128x128xf32, #tpu.memory_space<vmem_shared>>) target_semaphore(%run_scoped3A : memref<!tpu.dma_semaphore, #tpu.memory_space<semaphore_mem>>)
      %dma_wait3A = arith.constant 0 : i32
      %dma_wait3A_65 = tpu.memref_slice %arg10[%add3A_14, %dma_wait3A] : memref<10240x128xf32, #tpu.memory_space<vmem_shared>> -> memref<128x128xf32, #tpu.memory_space<vmem_shared>>
      %dma_wait3A_66 = arith.constant 0 : i32
      %dma_wait3A_67 = tpu.memref_slice %arg10[%add3A_14, %dma_wait3A_66] : memref<10240x128xf32, #tpu.memory_space<vmem_shared>> -> memref<128x128xf32, #tpu.memory_space<vmem_shared>>
      tpu.wait_dma2 semaphore(%run_scoped3A : memref<!tpu.dma_semaphore, #tpu.memory_space<semaphore_mem>>) src(%arg8 : memref<128x128xf32, #tpu.memory_space<vmem>>) dst(%dma_wait3A_67 : memref<128x128xf32, #tpu.memory_space<vmem_shared>>)
      tpu.yield
    }) : () -> ()
    %add3A_15 = arith.constant 384 : i32
    %add3A_16 = arith.addi %mul3A_8, %add3A_15 : i32
    "tpu.region"() ({
      %run_scoped3A = tpu.sem_alloc : memref<!tpu.dma_semaphore, #tpu.memory_space<semaphore_mem>>
      %dma_start3A_61 = arith.constant 0 : i32
      %dma_start3A_62 = tpu.memref_slice %arg10[%add3A_16, %dma_start3A_61] : memref<10240x128xf32, #tpu.memory_space<vmem_shared>> -> memref<128x128xf32, #tpu.memory_space<vmem_shared>>
      %dma_start3A_63 = arith.constant 0 : i32
      %dma_start3A_64 = tpu.memref_slice %arg10[%add3A_16, %dma_start3A_63] : memref<10240x128xf32, #tpu.memory_space<vmem_shared>> -> memref<128x128xf32, #tpu.memory_space<vmem_shared>>
      tpu.enqueue_dma source(%arg8 : memref<128x128xf32, #tpu.memory_space<vmem>>) target(%dma_start3A_64 : memref<128x128xf32, #tpu.memory_space<vmem_shared>>) target_semaphore(%run_scoped3A : memref<!tpu.dma_semaphore, #tpu.memory_space<semaphore_mem>>)
      %dma_wait3A = arith.constant 0 : i32
      %dma_wait3A_65 = tpu.memref_slice %arg10[%add3A_16, %dma_wait3A] : memref<10240x128xf32, #tpu.memory_space<vmem_shared>> -> memref<128x128xf32, #tpu.memory_space<vmem_shared>>
      %dma_wait3A_66 = arith.constant 0 : i32
      %dma_wait3A_67 = tpu.memref_slice %arg10[%add3A_16, %dma_wait3A_66] : memref<10240x128xf32, #tpu.memory_space<vmem_shared>> -> memref<128x128xf32, #tpu.memory_space<vmem_shared>>
      tpu.wait_dma2 semaphore(%run_scoped3A : memref<!tpu.dma_semaphore, #tpu.memory_space<semaphore_mem>>) src(%arg8 : memref<128x128xf32, #tpu.memory_space<vmem>>) dst(%dma_wait3A_67 : memref<128x128xf32, #tpu.memory_space<vmem_shared>>)
      tpu.yield
    }) : () -> ()
    %add3A_17 = arith.constant 512 : i32
    %add3A_18 = arith.addi %mul3A_8, %add3A_17 : i32
    "tpu.region"() ({
      %run_scoped3A = tpu.sem_alloc : memref<!tpu.dma_semaphore, #tpu.memory_space<semaphore_mem>>
      %dma_start3A_61 = arith.constant 0 : i32
      %dma_start3A_62 = tpu.memref_slice %arg10[%add3A_18, %dma_start3A_61] : memref<10240x128xf32, #tpu.memory_space<vmem_shared>> -> memref<128x128xf32, #tpu.memory_space<vmem_shared>>
      %dma_start3A_63 = arith.constant 0 : i32
      %dma_start3A_64 = tpu.memref_slice %arg10[%add3A_18, %dma_start3A_63] : memref<10240x128xf32, #tpu.memory_space<vmem_shared>> -> memref<128x128xf32, #tpu.memory_space<vmem_shared>>
      tpu.enqueue_dma source(%arg8 : memref<128x128xf32, #tpu.memory_space<vmem>>) target(%dma_start3A_64 : memref<128x128xf32, #tpu.memory_space<vmem_shared>>) target_semaphore(%run_scoped3A : memref<!tpu.dma_semaphore, #tpu.memory_space<semaphore_mem>>)
      %dma_wait3A = arith.constant 0 : i32
      %dma_wait3A_65 = tpu.memref_slice %arg10[%add3A_18, %dma_wait3A] : memref<10240x128xf32, #tpu.memory_space<vmem_shared>> -> memref<128x128xf32, #tpu.memory_space<vmem_shared>>
      %dma_wait3A_66 = arith.constant 0 : i32
      %dma_wait3A_67 = tpu.memref_slice %arg10[%add3A_18, %dma_wait3A_66] : memref<10240x128xf32, #tpu.memory_space<vmem_shared>> -> memref<128x128xf32, #tpu.memory_space<vmem_shared>>
      tpu.wait_dma2 semaphore(%run_scoped3A : memref<!tpu.dma_semaphore, #tpu.memory_space<semaphore_mem>>) src(%arg8 : memref<128x128xf32, #tpu.memory_space<vmem>>) dst(%dma_wait3A_67 : memref<128x128xf32, #tpu.memory_space<vmem_shared>>)
      tpu.yield
    }) : () -> ()
    %barrier3A = arith.constant 0 : index
    tpu.barrier barrier_id(%barrier3A)
    %mul3A_19 = arith.constant 80 : i32
    %mul3A_20 = arith.muli %add3A, %mul3A_19 : i32
    %add3A_21 = arith.constant 0 : i32
    %add3A_22 = arith.addi %mul3A_20, %add3A_21 : i32
    "tpu.region"() ({
      %run_scoped3A = tpu.sem_alloc : memref<!tpu.dma_semaphore, #tpu.memory_space<semaphore_mem>>
      %dma_start3A_61 = arith.constant 0 : i32
      %dma_start3A_62 = tpu.memref_slice %arg3[%add3A_22, %dma_start3A_61] : memref<2560x128xi32, #tpu.memory_space<hbm>> -> memref<40x128xi32, #tpu.memory_space<hbm>>
      %dma_start3A_63 = arith.constant 0 : i32
      %dma_start3A_64 = tpu.memref_slice %arg3[%add3A_22, %dma_start3A_63] : memref<2560x128xi32, #tpu.memory_space<hbm>> -> memref<40x128xi32, #tpu.memory_space<hbm>>
      tpu.enqueue_dma source(%dma_start3A_64 : memref<40x128xi32, #tpu.memory_space<hbm>>) target(%arg6 : memref<40x128xi32, #tpu.memory_space<vmem>>) target_semaphore(%run_scoped3A : memref<!tpu.dma_semaphore, #tpu.memory_space<semaphore_mem>>)
      %dma_wait3A = arith.constant 0 : i32
      %dma_wait3A_65 = tpu.memref_slice %arg3[%add3A_22, %dma_wait3A] : memref<2560x128xi32, #tpu.memory_space<hbm>> -> memref<40x128xi32, #tpu.memory_space<hbm>>
      %dma_wait3A_66 = arith.constant 0 : i32
      %dma_wait3A_67 = tpu.memref_slice %arg3[%add3A_22, %dma_wait3A_66] : memref<2560x128xi32, #tpu.memory_space<hbm>> -> memref<40x128xi32, #tpu.memory_space<hbm>>
      tpu.wait_dma2 semaphore(%run_scoped3A : memref<!tpu.dma_semaphore, #tpu.memory_space<semaphore_mem>>) src(%dma_wait3A_67 : memref<40x128xi32, #tpu.memory_space<hbm>>) dst(%arg6 : memref<40x128xi32, #tpu.memory_space<vmem>>)
      tpu.yield
    }) : () -> ()
    %mul3A_23 = arith.constant 80 : i32
    %mul3A_24 = arith.muli %add3A, %mul3A_23 : i32
    %add3A_25 = arith.constant 0 : i32
    %add3A_26 = arith.addi %mul3A_24, %add3A_25 : i32
    "tpu.region"() ({
      %run_scoped3A = tpu.sem_alloc : memref<!tpu.dma_semaphore, #tpu.memory_space<semaphore_mem>>
      %dma_start3A_61 = arith.constant 0 : i32
      %dma_start3A_62 = tpu.memref_slice %arg4[%add3A_26, %dma_start3A_61] : memref<2560x128xi32, #tpu.memory_space<hbm>> -> memref<40x128xi32, #tpu.memory_space<hbm>>
      %dma_start3A_63 = arith.constant 0 : i32
      %dma_start3A_64 = tpu.memref_slice %arg4[%add3A_26, %dma_start3A_63] : memref<2560x128xi32, #tpu.memory_space<hbm>> -> memref<40x128xi32, #tpu.memory_space<hbm>>
      tpu.enqueue_dma source(%dma_start3A_64 : memref<40x128xi32, #tpu.memory_space<hbm>>) target(%arg7 : memref<40x128xi32, #tpu.memory_space<vmem>>) target_semaphore(%run_scoped3A : memref<!tpu.dma_semaphore, #tpu.memory_space<semaphore_mem>>)
      %dma_wait3A = arith.constant 0 : i32
      %dma_wait3A_65 = tpu.memref_slice %arg4[%add3A_26, %dma_wait3A] : memref<2560x128xi32, #tpu.memory_space<hbm>> -> memref<40x128xi32, #tpu.memory_space<hbm>>
      %dma_wait3A_66 = arith.constant 0 : i32
      %dma_wait3A_67 = tpu.memref_slice %arg4[%add3A_26, %dma_wait3A_66] : memref<2560x128xi32, #tpu.memory_space<hbm>> -> memref<40x128xi32, #tpu.memory_space<hbm>>
      tpu.wait_dma2 semaphore(%run_scoped3A : memref<!tpu.dma_semaphore, #tpu.memory_space<semaphore_mem>>) src(%dma_wait3A_67 : memref<40x128xi32, #tpu.memory_space<hbm>>) dst(%arg7 : memref<40x128xi32, #tpu.memory_space<vmem>>)
      tpu.yield
    }) : () -> ()
    %dma_start3A = arith.constant 0 : i32
    %dma_start3A_27 = arith.constant 0 : i32
    %dma_start3A_28 = tpu.memref_slice %arg6[%dma_start3A, %dma_start3A_27] : memref<40x128xi32, #tpu.memory_space<vmem>> -> memref<1x128xi32, #tpu.memory_space<vmem>>
    %dma_start3A_29 = tpu.memref_squeeze %dma_start3A_28 : memref<1x128xi32, #tpu.memory_space<vmem>> -> memref<128xi32, #tpu.memory_space<vmem>>
    %dma_start3A_30 = arith.constant 0 : i32
    %dma_start3A_31 = arith.constant 0 : i32
    %dma_start3A_32 = tpu.memref_slice %arg2[%dma_start3A_30, %dma_start3A_31] : memref<10000x128xf32, #tpu.memory_space<hbm>> -> memref<10000x128xf32, #tpu.memory_space<hbm>>
    tpu.enqueue_indirect_dma source(%dma_start3A_32 : memref<10000x128xf32, #tpu.memory_space<hbm>>) target(%arg8 : memref<128x128xf32, #tpu.memory_space<vmem>>) offsets(%dma_start3A_29 : memref<128xi32, #tpu.memory_space<vmem>>) semaphore(%arg11 : memref<!tpu.dma_semaphore, #tpu.memory_space<semaphore_mem>>)
    %scan3A_33 = arith.constant 0 : i32
    %scan3A_34 = arith.constant 0 : i32
    %scan3A_35 = arith.constant 20 : i32
    %scan3A_36 = arith.addi %scan3A_34, %scan3A_35 : i32
    %scan3A_37 = arith.constant 1 : i32
    scf.for %scan3A_61 = %scan3A_34 to %scan3A_36 step %scan3A_37  : i32 {
      %mul3A_62 = arith.constant 2 : i32
      %mul3A_63 = arith.muli %scan3A_61, %mul3A_62 : i32
      %add3A_64 = arith.constant 1 : i32
      %add3A_65 = arith.addi %mul3A_63, %add3A_64 : i32
      %dma_start3A_66 = arith.constant 0 : i32
      %dma_start3A_67 = tpu.memref_slice %arg6[%add3A_65, %dma_start3A_66] : memref<40x128xi32, #tpu.memory_space<vmem>> -> memref<1x128xi32, #tpu.memory_space<vmem>>
      %dma_start3A_68 = tpu.memref_squeeze %dma_start3A_67 : memref<1x128xi32, #tpu.memory_space<vmem>> -> memref<128xi32, #tpu.memory_space<vmem>>
      %dma_start3A_69 = arith.constant 0 : i32
      %dma_start3A_70 = arith.constant 0 : i32
      %dma_start3A_71 = tpu.memref_slice %arg2[%dma_start3A_69, %dma_start3A_70] : memref<10000x128xf32, #tpu.memory_space<hbm>> -> memref<10000x128xf32, #tpu.memory_space<hbm>>
      tpu.enqueue_indirect_dma source(%dma_start3A_71 : memref<10000x128xf32, #tpu.memory_space<hbm>>) target(%arg9 : memref<128x128xf32, #tpu.memory_space<vmem>>) offsets(%dma_start3A_68 : memref<128xi32, #tpu.memory_space<vmem>>) semaphore(%arg12 : memref<!tpu.dma_semaphore, #tpu.memory_space<semaphore_mem>>)
      %dma_wait3A = arith.constant 0 : i32
      %dma_wait3A_72 = arith.constant 0 : i32
      %dma_wait3A_73 = tpu.memref_slice %arg6[%dma_wait3A, %dma_wait3A_72] : memref<40x128xi32, #tpu.memory_space<vmem>> -> memref<1x128xi32, #tpu.memory_space<vmem>>
      %dma_wait3A_74 = tpu.memref_squeeze %dma_wait3A_73 : memref<1x128xi32, #tpu.memory_space<vmem>> -> memref<128xi32, #tpu.memory_space<vmem>>
      %dma_wait3A_75 = arith.constant 0 : i32
      %dma_wait3A_76 = arith.constant 0 : i32
      %dma_wait3A_77 = tpu.memref_slice %arg2[%dma_wait3A_75, %dma_wait3A_76] : memref<10000x128xf32, #tpu.memory_space<hbm>> -> memref<10000x128xf32, #tpu.memory_space<hbm>>
      tpu.wait_indirect_dma semaphore(%arg11 : memref<!tpu.dma_semaphore, #tpu.memory_space<semaphore_mem>>) src(%dma_wait3A_77 : memref<10000x128xf32, #tpu.memory_space<hbm>>) dst(%arg8 : memref<128x128xf32, #tpu.memory_space<vmem>>)
      "tpu.region"() ({
        %run_scoped3A = tpu.sem_alloc : memref<!tpu.dma_semaphore, #tpu.memory_space<semaphore_mem>>
        %dma_start3A_91 = arith.constant 0 : i32
        %dma_start3A_92 = tpu.memref_slice %arg7[%mul3A_63, %dma_start3A_91] : memref<40x128xi32, #tpu.memory_space<vmem>> -> memref<1x128xi32, #tpu.memory_space<vmem>>
        %dma_start3A_93 = tpu.memref_squeeze %dma_start3A_92 : memref<1x128xi32, #tpu.memory_space<vmem>> -> memref<128xi32, #tpu.memory_space<vmem>>
        %dma_start3A_94 = arith.constant 0 : i32
        %dma_start3A_95 = arith.constant 0 : i32
        %dma_start3A_96 = tpu.memref_slice %arg10[%dma_start3A_94, %dma_start3A_95] : memref<10240x128xf32, #tpu.memory_space<vmem_shared>> -> memref<10240x128xf32, #tpu.memory_space<vmem_shared>>
        tpu.enqueue_indirect_dma source(%arg8 : memref<128x128xf32, #tpu.memory_space<vmem>>) target(%dma_start3A_96 : memref<10240x128xf32, #tpu.memory_space<vmem_shared>>) offsets(%dma_start3A_93 : memref<128xi32, #tpu.memory_space<vmem>>) semaphore(%run_scoped3A : memref<!tpu.dma_semaphore, #tpu.memory_space<semaphore_mem>>) {add = true}
        %dma_wait3A_97 = arith.constant 0 : i32
        %dma_wait3A_98 = tpu.memref_slice %arg7[%mul3A_63, %dma_wait3A_97] : memref<40x128xi32, #tpu.memory_space<vmem>> -> memref<1x128xi32, #tpu.memory_space<vmem>>
        %dma_wait3A_99 = tpu.memref_squeeze %dma_wait3A_98 : memref<1x128xi32, #tpu.memory_space<vmem>> -> memref<128xi32, #tpu.memory_space<vmem>>
        %dma_wait3A_100 = arith.constant 0 : i32
        %dma_wait3A_101 = arith.constant 0 : i32
        %dma_wait3A_102 = tpu.memref_slice %arg10[%dma_wait3A_100, %dma_wait3A_101] : memref<10240x128xf32, #tpu.memory_space<vmem_shared>> -> memref<10240x128xf32, #tpu.memory_space<vmem_shared>>
        tpu.wait_indirect_dma semaphore(%run_scoped3A : memref<!tpu.dma_semaphore, #tpu.memory_space<semaphore_mem>>) src(%arg8 : memref<128x128xf32, #tpu.memory_space<vmem>>) dst(%dma_wait3A_102 : memref<10240x128xf32, #tpu.memory_space<vmem_shared>>)
        tpu.yield
      }) : () -> ()
      %add3A_78 = arith.constant 2 : i32
      %add3A_79 = arith.addi %mul3A_63, %add3A_78 : i32
      %lt3A = arith.constant 40 : i32
      %lt3A_80 = arith.cmpi slt, %add3A_79, %lt3A : i32
      %convert_element_type3A = arith.extui %lt3A_80 : i1 to i32
      %cond3A = arith.constant 0 : i32
      %cond3A_81 = arith.cmpi ne, %convert_element_type3A, %cond3A : i32
      scf.if %cond3A_81 {
        %add3A_91 = arith.constant 2 : i32
        %add3A_92 = arith.addi %mul3A_63, %add3A_91 : i32
        %dma_start3A_93 = arith.constant 0 : i32
        %dma_start3A_94 = tpu.memref_slice %arg6[%add3A_92, %dma_start3A_93] : memref<40x128xi32, #tpu.memory_space<vmem>> -> memref<1x128xi32, #tpu.memory_space<vmem>>
        %dma_start3A_95 = tpu.memref_squeeze %dma_start3A_94 : memref<1x128xi32, #tpu.memory_space<vmem>> -> memref<128xi32, #tpu.memory_space<vmem>>
        %dma_start3A_96 = arith.constant 0 : i32
        %dma_start3A_97 = arith.constant 0 : i32
        %dma_start3A_98 = tpu.memref_slice %arg2[%dma_start3A_96, %dma_start3A_97] : memref<10000x128xf32, #tpu.memory_space<hbm>> -> memref<10000x128xf32, #tpu.memory_space<hbm>>
        tpu.enqueue_indirect_dma source(%dma_start3A_98 : memref<10000x128xf32, #tpu.memory_space<hbm>>) target(%arg8 : memref<128x128xf32, #tpu.memory_space<vmem>>) offsets(%dma_start3A_95 : memref<128xi32, #tpu.memory_space<vmem>>) semaphore(%arg11 : memref<!tpu.dma_semaphore, #tpu.memory_space<semaphore_mem>>)
      } else {
      }
      %dma_wait3A_82 = arith.constant 0 : i32
      %dma_wait3A_83 = arith.constant 0 : i32
      %dma_wait3A_84 = tpu.memref_slice %arg6[%dma_wait3A_82, %dma_wait3A_83] : memref<40x128xi32, #tpu.memory_space<vmem>> -> memref<1x128xi32, #tpu.memory_space<vmem>>
      %dma_wait3A_85 = tpu.memref_squeeze %dma_wait3A_84 : memref<1x128xi32, #tpu.memory_space<vmem>> -> memref<128xi32, #tpu.memory_space<vmem>>
      %dma_wait3A_86 = arith.constant 0 : i32
      %dma_wait3A_87 = arith.constant 0 : i32
      %dma_wait3A_88 = tpu.memref_slice %arg2[%dma_wait3A_86, %dma_wait3A_87] : memref<10000x128xf32, #tpu.memory_space<hbm>> -> memref<10000x128xf32, #tpu.memory_space<hbm>>
      tpu.wait_indirect_dma semaphore(%arg12 : memref<!tpu.dma_semaphore, #tpu.memory_space<semaphore_mem>>) src(%dma_wait3A_88 : memref<10000x128xf32, #tpu.memory_space<hbm>>) dst(%arg9 : memref<128x128xf32, #tpu.memory_space<vmem>>)
      %add3A_89 = arith.constant 1 : i32
      %add3A_90 = arith.addi %mul3A_63, %add3A_89 : i32
      "tpu.region"() ({
        %run_scoped3A = tpu.sem_alloc : memref<!tpu.dma_semaphore, #tpu.memory_space<semaphore_mem>>
        %dma_start3A_91 = arith.constant 0 : i32
        %dma_start3A_92 = tpu.memref_slice %arg7[%add3A_90, %dma_start3A_91] : memref<40x128xi32, #tpu.memory_space<vmem>> -> memref<1x128xi32, #tpu.memory_space<vmem>>
        %dma_start3A_93 = tpu.memref_squeeze %dma_start3A_92 : memref<1x128xi32, #tpu.memory_space<vmem>> -> memref<128xi32, #tpu.memory_space<vmem>>
        %dma_start3A_94 = arith.constant 0 : i32
        %dma_start3A_95 = arith.constant 0 : i32
        %dma_start3A_96 = tpu.memref_slice %arg10[%dma_start3A_94, %dma_start3A_95] : memref<10240x128xf32, #tpu.memory_space<vmem_shared>> -> memref<10240x128xf32, #tpu.memory_space<vmem_shared>>
        tpu.enqueue_indirect_dma source(%arg9 : memref<128x128xf32, #tpu.memory_space<vmem>>) target(%dma_start3A_96 : memref<10240x128xf32, #tpu.memory_space<vmem_shared>>) offsets(%dma_start3A_93 : memref<128xi32, #tpu.memory_space<vmem>>) semaphore(%run_scoped3A : memref<!tpu.dma_semaphore, #tpu.memory_space<semaphore_mem>>) {add = true}
        %dma_wait3A_97 = arith.constant 0 : i32
        %dma_wait3A_98 = tpu.memref_slice %arg7[%add3A_90, %dma_wait3A_97] : memref<40x128xi32, #tpu.memory_space<vmem>> -> memref<1x128xi32, #tpu.memory_space<vmem>>
        %dma_wait3A_99 = tpu.memref_squeeze %dma_wait3A_98 : memref<1x128xi32, #tpu.memory_space<vmem>> -> memref<128xi32, #tpu.memory_space<vmem>>
        %dma_wait3A_100 = arith.constant 0 : i32
        %dma_wait3A_101 = arith.constant 0 : i32
        %dma_wait3A_102 = tpu.memref_slice %arg10[%dma_wait3A_100, %dma_wait3A_101] : memref<10240x128xf32, #tpu.memory_space<vmem_shared>> -> memref<10240x128xf32, #tpu.memory_space<vmem_shared>>
        tpu.wait_indirect_dma semaphore(%run_scoped3A : memref<!tpu.dma_semaphore, #tpu.memory_space<semaphore_mem>>) src(%arg9 : memref<128x128xf32, #tpu.memory_space<vmem>>) dst(%dma_wait3A_102 : memref<10240x128xf32, #tpu.memory_space<vmem_shared>>)
        tpu.yield
      }) : () -> ()
    }
    %scan3A_38 = arith.constant 20 : i32
    %mul3A_39 = arith.constant 80 : i32
    %mul3A_40 = arith.muli %add3A, %mul3A_39 : i32
    %add3A_41 = arith.constant 40 : i32
    %add3A_42 = arith.addi %mul3A_40, %add3A_41 : i32
    "tpu.region"() ({
      %run_scoped3A = tpu.sem_alloc : memref<!tpu.dma_semaphore, #tpu.memory_space<semaphore_mem>>
      %dma_start3A_61 = arith.constant 0 : i32
      %dma_start3A_62 = tpu.memref_slice %arg3[%add3A_42, %dma_start3A_61] : memref<2560x128xi32, #tpu.memory_space<hbm>> -> memref<40x128xi32, #tpu.memory_space<hbm>>
      %dma_start3A_63 = arith.constant 0 : i32
      %dma_start3A_64 = tpu.memref_slice %arg3[%add3A_42, %dma_start3A_63] : memref<2560x128xi32, #tpu.memory_space<hbm>> -> memref<40x128xi32, #tpu.memory_space<hbm>>
      tpu.enqueue_dma source(%dma_start3A_64 : memref<40x128xi32, #tpu.memory_space<hbm>>) target(%arg6 : memref<40x128xi32, #tpu.memory_space<vmem>>) target_semaphore(%run_scoped3A : memref<!tpu.dma_semaphore, #tpu.memory_space<semaphore_mem>>)
      %dma_wait3A = arith.constant 0 : i32
      %dma_wait3A_65 = tpu.memref_slice %arg3[%add3A_42, %dma_wait3A] : memref<2560x128xi32, #tpu.memory_space<hbm>> -> memref<40x128xi32, #tpu.memory_space<hbm>>
      %dma_wait3A_66 = arith.constant 0 : i32
      %dma_wait3A_67 = tpu.memref_slice %arg3[%add3A_42, %dma_wait3A_66] : memref<2560x128xi32, #tpu.memory_space<hbm>> -> memref<40x128xi32, #tpu.memory_space<hbm>>
      tpu.wait_dma2 semaphore(%run_scoped3A : memref<!tpu.dma_semaphore, #tpu.memory_space<semaphore_mem>>) src(%dma_wait3A_67 : memref<40x128xi32, #tpu.memory_space<hbm>>) dst(%arg6 : memref<40x128xi32, #tpu.memory_space<vmem>>)
      tpu.yield
    }) : () -> ()
    %mul3A_43 = arith.constant 80 : i32
    %mul3A_44 = arith.muli %add3A, %mul3A_43 : i32
    %add3A_45 = arith.constant 40 : i32
    %add3A_46 = arith.addi %mul3A_44, %add3A_45 : i32
    "tpu.region"() ({
      %run_scoped3A = tpu.sem_alloc : memref<!tpu.dma_semaphore, #tpu.memory_space<semaphore_mem>>
      %dma_start3A_61 = arith.constant 0 : i32
      %dma_start3A_62 = tpu.memref_slice %arg4[%add3A_46, %dma_start3A_61] : memref<2560x128xi32, #tpu.memory_space<hbm>> -> memref<40x128xi32, #tpu.memory_space<hbm>>
      %dma_start3A_63 = arith.constant 0 : i32
      %dma_start3A_64 = tpu.memref_slice %arg4[%add3A_46, %dma_start3A_63] : memref<2560x128xi32, #tpu.memory_space<hbm>> -> memref<40x128xi32, #tpu.memory_space<hbm>>
      tpu.enqueue_dma source(%dma_start3A_64 : memref<40x128xi32, #tpu.memory_space<hbm>>) target(%arg7 : memref<40x128xi32, #tpu.memory_space<vmem>>) target_semaphore(%run_scoped3A : memref<!tpu.dma_semaphore, #tpu.memory_space<semaphore_mem>>)
      %dma_wait3A = arith.constant 0 : i32
      %dma_wait3A_65 = tpu.memref_slice %arg4[%add3A_46, %dma_wait3A] : memref<2560x128xi32, #tpu.memory_space<hbm>> -> memref<40x128xi32, #tpu.memory_space<hbm>>
      %dma_wait3A_66 = arith.constant 0 : i32
      %dma_wait3A_67 = tpu.memref_slice %arg4[%add3A_46, %dma_wait3A_66] : memref<2560x128xi32, #tpu.memory_space<hbm>> -> memref<40x128xi32, #tpu.memory_space<hbm>>
      tpu.wait_dma2 semaphore(%run_scoped3A : memref<!tpu.dma_semaphore, #tpu.memory_space<semaphore_mem>>) src(%dma_wait3A_67 : memref<40x128xi32, #tpu.memory_space<hbm>>) dst(%arg7 : memref<40x128xi32, #tpu.memory_space<vmem>>)
      tpu.yield
    }) : () -> ()
    %dma_start3A_47 = arith.constant 0 : i32
    %dma_start3A_48 = arith.constant 0 : i32
    %dma_start3A_49 = tpu.memref_slice %arg6[%dma_start3A_47, %dma_start3A_48] : memref<40x128xi32, #tpu.memory_space<vmem>> -> memref<1x128xi32, #tpu.memory_space<vmem>>
    %dma_start3A_50 = tpu.memref_squeeze %dma_start3A_49 : memref<1x128xi32, #tpu.memory_space<vmem>> -> memref<128xi32, #tpu.memory_space<vmem>>
    %dma_start3A_51 = arith.constant 0 : i32
    %dma_start3A_52 = arith.constant 0 : i32
    %dma_start3A_53 = tpu.memref_slice %arg2[%dma_start3A_51, %dma_start3A_52] : memref<10000x128xf32, #tpu.memory_space<hbm>> -> memref<10000x128xf32, #tpu.memory_space<hbm>>
    tpu.enqueue_indirect_dma source(%dma_start3A_53 : memref<10000x128xf32, #tpu.memory_space<hbm>>) target(%arg8 : memref<128x128xf32, #tpu.memory_space<vmem>>) offsets(%dma_start3A_50 : memref<128xi32, #tpu.memory_space<vmem>>) semaphore(%arg11 : memref<!tpu.dma_semaphore, #tpu.memory_space<semaphore_mem>>)
    %scan3A_54 = arith.constant 0 : i32
    %scan3A_55 = arith.constant 0 : i32
    %scan3A_56 = arith.constant 20 : i32
    %scan3A_57 = arith.addi %scan3A_55, %scan3A_56 : i32
    %scan3A_58 = arith.constant 1 : i32
    scf.for %scan3A_61 = %scan3A_55 to %scan3A_57 step %scan3A_58  : i32 {
      %mul3A_62 = arith.constant 2 : i32
      %mul3A_63 = arith.muli %scan3A_61, %mul3A_62 : i32
      %add3A_64 = arith.constant 1 : i32
      %add3A_65 = arith.addi %mul3A_63, %add3A_64 : i32
      %dma_start3A_66 = arith.constant 0 : i32
      %dma_start3A_67 = tpu.memref_slice %arg6[%add3A_65, %dma_start3A_66] : memref<40x128xi32, #tpu.memory_space<vmem>> -> memref<1x128xi32, #tpu.memory_space<vmem>>
      %dma_start3A_68 = tpu.memref_squeeze %dma_start3A_67 : memref<1x128xi32, #tpu.memory_space<vmem>> -> memref<128xi32, #tpu.memory_space<vmem>>
      %dma_start3A_69 = arith.constant 0 : i32
      %dma_start3A_70 = arith.constant 0 : i32
      %dma_start3A_71 = tpu.memref_slice %arg2[%dma_start3A_69, %dma_start3A_70] : memref<10000x128xf32, #tpu.memory_space<hbm>> -> memref<10000x128xf32, #tpu.memory_space<hbm>>
      tpu.enqueue_indirect_dma source(%dma_start3A_71 : memref<10000x128xf32, #tpu.memory_space<hbm>>) target(%arg9 : memref<128x128xf32, #tpu.memory_space<vmem>>) offsets(%dma_start3A_68 : memref<128xi32, #tpu.memory_space<vmem>>) semaphore(%arg12 : memref<!tpu.dma_semaphore, #tpu.memory_space<semaphore_mem>>)
      %dma_wait3A = arith.constant 0 : i32
      %dma_wait3A_72 = arith.constant 0 : i32
      %dma_wait3A_73 = tpu.memref_slice %arg6[%dma_wait3A, %dma_wait3A_72] : memref<40x128xi32, #tpu.memory_space<vmem>> -> memref<1x128xi32, #tpu.memory_space<vmem>>
      %dma_wait3A_74 = tpu.memref_squeeze %dma_wait3A_73 : memref<1x128xi32, #tpu.memory_space<vmem>> -> memref<128xi32, #tpu.memory_space<vmem>>
      %dma_wait3A_75 = arith.constant 0 : i32
      %dma_wait3A_76 = arith.constant 0 : i32
      %dma_wait3A_77 = tpu.memref_slice %arg2[%dma_wait3A_75, %dma_wait3A_76] : memref<10000x128xf32, #tpu.memory_space<hbm>> -> memref<10000x128xf32, #tpu.memory_space<hbm>>
      tpu.wait_indirect_dma semaphore(%arg11 : memref<!tpu.dma_semaphore, #tpu.memory_space<semaphore_mem>>) src(%dma_wait3A_77 : memref<10000x128xf32, #tpu.memory_space<hbm>>) dst(%arg8 : memref<128x128xf32, #tpu.memory_space<vmem>>)
      "tpu.region"() ({
        %run_scoped3A = tpu.sem_alloc : memref<!tpu.dma_semaphore, #tpu.memory_space<semaphore_mem>>
        %dma_start3A_91 = arith.constant 0 : i32
        %dma_start3A_92 = tpu.memref_slice %arg7[%mul3A_63, %dma_start3A_91] : memref<40x128xi32, #tpu.memory_space<vmem>> -> memref<1x128xi32, #tpu.memory_space<vmem>>
        %dma_start3A_93 = tpu.memref_squeeze %dma_start3A_92 : memref<1x128xi32, #tpu.memory_space<vmem>> -> memref<128xi32, #tpu.memory_space<vmem>>
        %dma_start3A_94 = arith.constant 0 : i32
        %dma_start3A_95 = arith.constant 0 : i32
        %dma_start3A_96 = tpu.memref_slice %arg10[%dma_start3A_94, %dma_start3A_95] : memref<10240x128xf32, #tpu.memory_space<vmem_shared>> -> memref<10240x128xf32, #tpu.memory_space<vmem_shared>>
        tpu.enqueue_indirect_dma source(%arg8 : memref<128x128xf32, #tpu.memory_space<vmem>>) target(%dma_start3A_96 : memref<10240x128xf32, #tpu.memory_space<vmem_shared>>) offsets(%dma_start3A_93 : memref<128xi32, #tpu.memory_space<vmem>>) semaphore(%run_scoped3A : memref<!tpu.dma_semaphore, #tpu.memory_space<semaphore_mem>>) {add = true}
        %dma_wait3A_97 = arith.constant 0 : i32
        %dma_wait3A_98 = tpu.memref_slice %arg7[%mul3A_63, %dma_wait3A_97] : memref<40x128xi32, #tpu.memory_space<vmem>> -> memref<1x128xi32, #tpu.memory_space<vmem>>
        %dma_wait3A_99 = tpu.memref_squeeze %dma_wait3A_98 : memref<1x128xi32, #tpu.memory_space<vmem>> -> memref<128xi32, #tpu.memory_space<vmem>>
        %dma_wait3A_100 = arith.constant 0 : i32
        %dma_wait3A_101 = arith.constant 0 : i32
        %dma_wait3A_102 = tpu.memref_slice %arg10[%dma_wait3A_100, %dma_wait3A_101] : memref<10240x128xf32, #tpu.memory_space<vmem_shared>> -> memref<10240x128xf32, #tpu.memory_space<vmem_shared>>
        tpu.wait_indirect_dma semaphore(%run_scoped3A : memref<!tpu.dma_semaphore, #tpu.memory_space<semaphore_mem>>) src(%arg8 : memref<128x128xf32, #tpu.memory_space<vmem>>) dst(%dma_wait3A_102 : memref<10240x128xf32, #tpu.memory_space<vmem_shared>>)
        tpu.yield
      }) : () -> ()
      %add3A_78 = arith.constant 2 : i32
      %add3A_79 = arith.addi %mul3A_63, %add3A_78 : i32
      %lt3A = arith.constant 40 : i32
      %lt3A_80 = arith.cmpi slt, %add3A_79, %lt3A : i32
      %convert_element_type3A = arith.extui %lt3A_80 : i1 to i32
      %cond3A = arith.constant 0 : i32
      %cond3A_81 = arith.cmpi ne, %convert_element_type3A, %cond3A : i32
      scf.if %cond3A_81 {
        %add3A_91 = arith.constant 2 : i32
        %add3A_92 = arith.addi %mul3A_63, %add3A_91 : i32
        %dma_start3A_93 = arith.constant 0 : i32
        %dma_start3A_94 = tpu.memref_slice %arg6[%add3A_92, %dma_start3A_93] : memref<40x128xi32, #tpu.memory_space<vmem>> -> memref<1x128xi32, #tpu.memory_space<vmem>>
        %dma_start3A_95 = tpu.memref_squeeze %dma_start3A_94 : memref<1x128xi32, #tpu.memory_space<vmem>> -> memref<128xi32, #tpu.memory_space<vmem>>
        %dma_start3A_96 = arith.constant 0 : i32
        %dma_start3A_97 = arith.constant 0 : i32
        %dma_start3A_98 = tpu.memref_slice %arg2[%dma_start3A_96, %dma_start3A_97] : memref<10000x128xf32, #tpu.memory_space<hbm>> -> memref<10000x128xf32, #tpu.memory_space<hbm>>
        tpu.enqueue_indirect_dma source(%dma_start3A_98 : memref<10000x128xf32, #tpu.memory_space<hbm>>) target(%arg8 : memref<128x128xf32, #tpu.memory_space<vmem>>) offsets(%dma_start3A_95 : memref<128xi32, #tpu.memory_space<vmem>>) semaphore(%arg11 : memref<!tpu.dma_semaphore, #tpu.memory_space<semaphore_mem>>)
      } else {
      }
      %dma_wait3A_82 = arith.constant 0 : i32
      %dma_wait3A_83 = arith.constant 0 : i32
      %dma_wait3A_84 = tpu.memref_slice %arg6[%dma_wait3A_82, %dma_wait3A_83] : memref<40x128xi32, #tpu.memory_space<vmem>> -> memref<1x128xi32, #tpu.memory_space<vmem>>
      %dma_wait3A_85 = tpu.memref_squeeze %dma_wait3A_84 : memref<1x128xi32, #tpu.memory_space<vmem>> -> memref<128xi32, #tpu.memory_space<vmem>>
      %dma_wait3A_86 = arith.constant 0 : i32
      %dma_wait3A_87 = arith.constant 0 : i32
      %dma_wait3A_88 = tpu.memref_slice %arg2[%dma_wait3A_86, %dma_wait3A_87] : memref<10000x128xf32, #tpu.memory_space<hbm>> -> memref<10000x128xf32, #tpu.memory_space<hbm>>
      tpu.wait_indirect_dma semaphore(%arg12 : memref<!tpu.dma_semaphore, #tpu.memory_space<semaphore_mem>>) src(%dma_wait3A_88 : memref<10000x128xf32, #tpu.memory_space<hbm>>) dst(%arg9 : memref<128x128xf32, #tpu.memory_space<vmem>>)
      %add3A_89 = arith.constant 1 : i32
      %add3A_90 = arith.addi %mul3A_63, %add3A_89 : i32
      "tpu.region"() ({
        %run_scoped3A = tpu.sem_alloc : memref<!tpu.dma_semaphore, #tpu.memory_space<semaphore_mem>>
        %dma_start3A_91 = arith.constant 0 : i32
        %dma_start3A_92 = tpu.memref_slice %arg7[%add3A_90, %dma_start3A_91] : memref<40x128xi32, #tpu.memory_space<vmem>> -> memref<1x128xi32, #tpu.memory_space<vmem>>
        %dma_start3A_93 = tpu.memref_squeeze %dma_start3A_92 : memref<1x128xi32, #tpu.memory_space<vmem>> -> memref<128xi32, #tpu.memory_space<vmem>>
        %dma_start3A_94 = arith.constant 0 : i32
        %dma_start3A_95 = arith.constant 0 : i32
        %dma_start3A_96 = tpu.memref_slice %arg10[%dma_start3A_94, %dma_start3A_95] : memref<10240x128xf32, #tpu.memory_space<vmem_shared>> -> memref<10240x128xf32, #tpu.memory_space<vmem_shared>>
        tpu.enqueue_indirect_dma source(%arg9 : memref<128x128xf32, #tpu.memory_space<vmem>>) target(%dma_start3A_96 : memref<10240x128xf32, #tpu.memory_space<vmem_shared>>) offsets(%dma_start3A_93 : memref<128xi32, #tpu.memory_space<vmem>>) semaphore(%run_scoped3A : memref<!tpu.dma_semaphore, #tpu.memory_space<semaphore_mem>>) {add = true}
        %dma_wait3A_97 = arith.constant 0 : i32
        %dma_wait3A_98 = tpu.memref_slice %arg7[%add3A_90, %dma_wait3A_97] : memref<40x128xi32, #tpu.memory_space<vmem>> -> memref<1x128xi32, #tpu.memory_space<vmem>>
        %dma_wait3A_99 = tpu.memref_squeeze %dma_wait3A_98 : memref<1x128xi32, #tpu.memory_space<vmem>> -> memref<128xi32, #tpu.memory_space<vmem>>
        %dma_wait3A_100 = arith.constant 0 : i32
        %dma_wait3A_101 = arith.constant 0 : i32
        %dma_wait3A_102 = tpu.memref_slice %arg10[%dma_wait3A_100, %dma_wait3A_101] : memref<10240x128xf32, #tpu.memory_space<vmem_shared>> -> memref<10240x128xf32, #tpu.memory_space<vmem_shared>>
        tpu.wait_indirect_dma semaphore(%run_scoped3A : memref<!tpu.dma_semaphore, #tpu.memory_space<semaphore_mem>>) src(%arg9 : memref<128x128xf32, #tpu.memory_space<vmem>>) dst(%dma_wait3A_102 : memref<10240x128xf32, #tpu.memory_space<vmem_shared>>)
        tpu.yield
      }) : () -> ()
    }
    %scan3A_59 = arith.constant 20 : i32
    %barrier3A_60 = arith.constant 0 : index
    tpu.barrier barrier_id(%barrier3A_60)
    "tpu.region"() ({
      %run_scoped3A = tpu.sem_alloc : memref<!tpu.dma_semaphore, #tpu.memory_space<semaphore_mem>>
      %dma_start3A_61 = arith.constant 0 : i32
      %dma_start3A_62 = tpu.memref_slice %arg5[%arg0, %mul3A_8, %dma_start3A_61] : memref<2x10240x128xf32, #tpu.memory_space<hbm>> -> memref<1x640x128xf32, #tpu.memory_space<hbm>>
      %dma_start3A_63 = tpu.memref_squeeze %dma_start3A_62 : memref<1x640x128xf32, #tpu.memory_space<hbm>> -> memref<640x128xf32, #tpu.memory_space<hbm>>
      %dma_start3A_64 = arith.constant 0 : i32
      %dma_start3A_65 = tpu.memref_slice %arg10[%mul3A_8, %dma_start3A_64] : memref<10240x128xf32, #tpu.memory_space<vmem_shared>> -> memref<640x128xf32, #tpu.memory_space<vmem_shared>>
      tpu.enqueue_dma source(%dma_start3A_65 : memref<640x128xf32, #tpu.memory_space<vmem_shared>>) target(%dma_start3A_63 : memref<640x128xf32, #tpu.memory_space<hbm>>) target_semaphore(%run_scoped3A : memref<!tpu.dma_semaphore, #tpu.memory_space<semaphore_mem>>)
      %dma_wait3A = arith.constant 0 : i32
      %dma_wait3A_66 = tpu.memref_slice %arg5[%arg0, %mul3A_8, %dma_wait3A] : memref<2x10240x128xf32, #tpu.memory_space<hbm>> -> memref<1x640x128xf32, #tpu.memory_space<hbm>>
      %dma_wait3A_67 = tpu.memref_squeeze %dma_wait3A_66 : memref<1x640x128xf32, #tpu.memory_space<hbm>> -> memref<640x128xf32, #tpu.memory_space<hbm>>
      %dma_wait3A_68 = arith.constant 0 : i32
      %dma_wait3A_69 = tpu.memref_slice %arg10[%mul3A_8, %dma_wait3A_68] : memref<10240x128xf32, #tpu.memory_space<vmem_shared>> -> memref<640x128xf32, #tpu.memory_space<vmem_shared>>
      tpu.wait_dma2 semaphore(%run_scoped3A : memref<!tpu.dma_semaphore, #tpu.memory_space<semaphore_mem>>) src(%dma_wait3A_69 : memref<640x128xf32, #tpu.memory_space<vmem_shared>>) dst(%dma_wait3A_67 : memref<640x128xf32, #tpu.memory_space<hbm>>)
      tpu.yield
    }) : () -> ()
    return
  }
}

module attributes {stable_mosaic.version = 14 : i64} {
  func.func @body(%arg0: i32, %arg1: memref<1000x128xf32, #tpu.memory_space<vmem>>, %arg2: memref<128x128xf32, #tpu.memory_space<vmem>>, %arg3: memref<1x32x1000xf32, #tpu.memory_space<vmem>>, %arg4: memref<1000x128xf32, #tpu.memory_space<vmem>>) attributes {dimension_semantics = [#tpu.dimension_semantics<arbitrary>], iteration_bounds = array<i64: 10>, scalar_prefetch = 0 : i64, scratch_operands = 0 : i64, tpu.core_type = #tpu.core_type<tc>, window_params = [{transform_indices = @transform_0, window_bounds = array<i64: 1000, 128>}, {pipeline_mode = #tpu.pipeline_mode<synchronous>, transform_indices = @transform_1, window_bounds = array<i64: 128, 128>}, {transform_indices = @transform_2, window_bounds = array<i64: 1, 32, 1000>}, {transform_indices = @transform_3, window_bounds = array<i64: 1000, 128>}]} {
    %get3A = arith.constant 0 : index
    %get3A_0 = arith.constant 0 : index
    %get3A_1 = arith.constant 0 : index
    %get3A_2 = vector.load %arg3[%get3A, %get3A_0, %get3A_1] : memref<1x32x1000xf32, #tpu.memory_space<vmem>>, vector<1x32x1000xf32>
    %get3A_3 = vector.shape_cast %get3A_2 : vector<1x32x1000xf32> to vector<32x1000xf32>
    %reduce_sum3A = arith.constant dense<0.000000e+00> : vector<1000xf32>
    %reduce_sum3A_4 = vector.multi_reduction <add>, %get3A_3, %reduce_sum3A [0] : vector<32x1000xf32> to vector<1000xf32>
    %add3A = arith.constant 1.000000e+00 : f32
    %add3A_5 = vector.broadcast %add3A : f32 to vector<1000xf32>
    %add3A_6 = arith.addf %add3A_5, %reduce_sum3A_4 : vector<1000xf32>
    %rsqrt3A = math.rsqrt %add3A_6 : vector<1000xf32>
    %get3A_7 = arith.constant 0 : index
    %get3A_8 = arith.constant 0 : index
    %get3A_9 = vector.load %arg1[%get3A_7, %get3A_8] : memref<1000x128xf32, #tpu.memory_space<vmem>>, vector<1000x128xf32>
    %get3A_10 = arith.constant 0 : index
    %get3A_11 = arith.constant 0 : index
    %get3A_12 = vector.load %arg2[%get3A_10, %get3A_11] : memref<128x128xf32, #tpu.memory_space<vmem>>, vector<128x128xf32>
    %dot_general3A = arith.constant dense<0.000000e+00> : vector<1000x128xf32>
    %dot_general3A_13 = tpu.matmul %get3A_9, %get3A_12, %dot_general3A {dimension_numbers = #tpu.dot_dimension_numbers<[1], [0], [0], [1], [0, 0, 1, 1], [], []>, transpose_lhs_hint = false} : vector<1000x128xf32>, vector<128x128xf32>, vector<1000x128xf32> -> vector<1000x128xf32>
    %broadcast_in_dim3A = vector.shape_cast %rsqrt3A : vector<1000xf32> to vector<1000x1xf32>
    %mul3A = vector.broadcast %broadcast_in_dim3A : vector<1000x1xf32> to vector<1000x128xf32>
    %mul3A_14 = arith.mulf %dot_general3A_13, %mul3A : vector<1000x128xf32>
    %swap3A = arith.constant 0 : index
    %swap3A_15 = arith.constant 0 : index
    %swap3A_16 = vector.load %arg4[%swap3A, %swap3A_15] : memref<1000x128xf32, #tpu.memory_space<vmem>>, vector<1000x128xf32>
    tpu.vector_store %arg4[%swap3A, %swap3A_15], %mul3A_14 {strides = array<i32>} : memref<1000x128xf32, #tpu.memory_space<vmem>>, vector<1000x128xf32>,
    return
  }
  func.func @transform_0(%arg0: i32) -> (i32, i32) {
    %c0_i32 = arith.constant 0 : i32
    %c0_i32_0 = arith.constant 0 : i32
    return %arg0, %c0_i32 : i32, i32
  }
  func.func @transform_1(%arg0: i32) -> (i32, i32) {
    %c0_i32 = arith.constant 0 : i32
    %c0_i32_0 = arith.constant 0 : i32
    %c0_i32_1 = arith.constant 0 : i32
    return %c0_i32, %c0_i32_0 : i32, i32
  }
  func.func @transform_2(%arg0: i32) -> (i32, i32, i32) {
    %c0_i32 = arith.constant 0 : i32
    %c0_i32_0 = arith.constant 0 : i32
    %c0_i32_1 = arith.constant 0 : i32
    return %arg0, %c0_i32, %c0_i32_0 : i32, i32, i32
  }
  func.func @transform_3(%arg0: i32) -> (i32, i32) {
    %c0_i32 = arith.constant 0 : i32
    %c0_i32_0 = arith.constant 0 : i32
    return %arg0, %c0_i32 : i32, i32
  }
}

module attributes {stable_mosaic.version = 14 : i64} {
  func.func @body(%arg0: i32, %arg1: i32, %arg2: memref<2x1000x128xf32, #tpu.memory_space<vmem>>, %arg3: memref<1000x128xf32, #tpu.memory_space<vmem>>, %arg4: memref<1x32x1000xf32, #tpu.memory_space<vmem>>, %arg5: memref<1x1x1000xi32, #tpu.memory_space<vmem>>, %arg6: memref<1x128xf32, #tpu.memory_space<vmem>>, %arg7: memref<1x128xf32, #tpu.memory_space<vmem>>, %arg8: memref<1x128xf32, #tpu.memory_space<vmem>>, %arg9: memref<1x128xf32, #tpu.memory_space<vmem>>, %arg10: memref<1000x128xf32, #tpu.memory_space<vmem>>, %arg11: memref<10000x128xf32, #tpu.memory_space<vmem>>, %arg12: memref<64x128xf32, #tpu.memory_space<vmem>>, %arg13: memref<64x128xf32, #tpu.memory_space<vmem>>, %arg14: memref<64x128xf32, #tpu.memory_space<vmem>>, %arg15: memref<64x128xf32, #tpu.memory_space<vmem>>, %arg16: memref<64x128xf32, #tpu.memory_space<vmem>>) attributes {dimension_semantics = [#tpu.dimension_semantics<arbitrary>, #tpu.dimension_semantics<arbitrary>], iteration_bounds = array<i64: 2, 10>, scalar_prefetch = 0 : i64, scratch_operands = 6 : i64, tpu.core_type = #tpu.core_type<tc>, window_params = [{transform_indices = @transform_0, window_bounds = array<i64: 2, 1000, 128>}, {transform_indices = @transform_1, window_bounds = array<i64: 1000, 128>}, {transform_indices = @transform_2, window_bounds = array<i64: 1, 32, 1000>}, {transform_indices = @transform_3, window_bounds = array<i64: 1, 1, 1000>}, {pipeline_mode = #tpu.pipeline_mode<synchronous>, transform_indices = @transform_4, window_bounds = array<i64: 1, 128>}, {pipeline_mode = #tpu.pipeline_mode<synchronous>, transform_indices = @transform_5, window_bounds = array<i64: 1, 128>}, {pipeline_mode = #tpu.pipeline_mode<synchronous>, transform_indices = @transform_6, window_bounds = array<i64: 1, 128>}, {pipeline_mode = #tpu.pipeline_mode<synchronous>, transform_indices = @transform_7, window_bounds = array<i64: 1, 128>}, {transform_indices = @transform_8, window_bounds = array<i64: 1000, 128>}]} {
    %eq3A = arith.constant 0 : i32
    %eq3A_0 = arith.cmpi eq, %arg0, %eq3A : i32
    %eq3A_1 = arith.constant 0 : i32
    %eq3A_2 = arith.cmpi eq, %arg1, %eq3A_1 : i32
    %and3A = arith.andi %eq3A_0, %eq3A_2 : i1
    %convert_element_type3A = arith.extui %and3A : i1 to i32
    %cond3A = arith.constant 0 : i32
    %cond3A_3 = arith.cmpi ne, %convert_element_type3A, %cond3A : i32
    scf.if %cond3A_3 {
      %broadcast_in_dim3A_22 = arith.constant 0.000000e+00 : f32
      %broadcast_in_dim3A_23 = vector.broadcast %broadcast_in_dim3A_22 : f32 to vector<64x128xf32>
      %swap3A = arith.constant 0 : index
      %swap3A_24 = arith.constant 0 : index
      %swap3A_25 = vector.load %arg12[%swap3A, %swap3A_24] : memref<64x128xf32, #tpu.memory_space<vmem>>, vector<64x128xf32>
      tpu.vector_store %arg12[%swap3A, %swap3A_24], %broadcast_in_dim3A_23 {strides = array<i32>} : memref<64x128xf32, #tpu.memory_space<vmem>>, vector<64x128xf32>,
      %broadcast_in_dim3A_26 = arith.constant 0.000000e+00 : f32
      %broadcast_in_dim3A_27 = vector.broadcast %broadcast_in_dim3A_26 : f32 to vector<64x128xf32>
      %swap3A_28 = arith.constant 0 : index
      %swap3A_29 = arith.constant 0 : index
      %swap3A_30 = vector.load %arg13[%swap3A_28, %swap3A_29] : memref<64x128xf32, #tpu.memory_space<vmem>>, vector<64x128xf32>
      tpu.vector_store %arg13[%swap3A_28, %swap3A_29], %broadcast_in_dim3A_27 {strides = array<i32>} : memref<64x128xf32, #tpu.memory_space<vmem>>, vector<64x128xf32>,
      %broadcast_in_dim3A_31 = arith.constant 0.000000e+00 : f32
      %broadcast_in_dim3A_32 = vector.broadcast %broadcast_in_dim3A_31 : f32 to vector<64x128xf32>
      %swap3A_33 = arith.constant 0 : index
      %swap3A_34 = arith.constant 0 : index
      %swap3A_35 = vector.load %arg14[%swap3A_33, %swap3A_34] : memref<64x128xf32, #tpu.memory_space<vmem>>, vector<64x128xf32>
      tpu.vector_store %arg14[%swap3A_33, %swap3A_34], %broadcast_in_dim3A_32 {strides = array<i32>} : memref<64x128xf32, #tpu.memory_space<vmem>>, vector<64x128xf32>,
    } else {
    }
    %get3A = arith.constant 0 : index
    %get3A_4 = arith.constant 0 : index
    %get3A_5 = arith.constant 0 : index
    %get3A_6 = vector.load %arg5[%get3A, %get3A_4, %get3A_5] : memref<1x1x1000xi32, #tpu.memory_space<vmem>>, vector<1x1x1000xi32>
    %get3A_7 = vector.shape_cast %get3A_6 : vector<1x1x1000xi32> to vector<1000xi32>
    %iota3A = tpu.iota {dimensions = array<i32: 0>} : vector<64x1000xi32>
    %broadcast_in_dim3A = vector.shape_cast %get3A_7 : vector<1000xi32> to vector<1x1000xi32>
    %eq3A_8 = vector.broadcast %broadcast_in_dim3A : vector<1x1000xi32> to vector<64x1000xi32>
    %eq3A_9 = arith.cmpi eq, %iota3A, %eq3A_8 : vector<64x1000xi32>
    %convert_element_type3A_10 = arith.extui %eq3A_9 : vector<64x1000xi1> to vector<64x1000xi32>
    %convert_element_type3A_11 = arith.sitofp %convert_element_type3A_10 : vector<64x1000xi32> to vector<64x1000xf32>
    %eq3A_12 = arith.constant 0 : i32
    %eq3A_13 = arith.cmpi eq, %arg0, %eq3A_12 : i32
    %convert_element_type3A_14 = arith.extui %eq3A_13 : i1 to i32
    %cond3A_15 = arith.constant 0 : i32
    %cond3A_16 = arith.cmpi ne, %convert_element_type3A_14, %cond3A_15 : i32
    scf.if %cond3A_16 {
      %get3A_22 = arith.constant 0 : index
      %get3A_23 = arith.constant 0 : index
      %get3A_24 = arith.constant 0 : index
      %get3A_25 = vector.load %arg4[%get3A_22, %get3A_23, %get3A_24] : memref<1x32x1000xf32, #tpu.memory_space<vmem>>, vector<1x32x1000xf32>
      %get3A_26 = vector.shape_cast %get3A_25 : vector<1x32x1000xf32> to vector<32x1000xf32>
      %reduce_sum3A = arith.constant dense<0.000000e+00> : vector<1000xf32>
      %reduce_sum3A_27 = vector.multi_reduction <add>, %get3A_26, %reduce_sum3A [0] : vector<32x1000xf32> to vector<1000xf32>
      %add3A = arith.constant 1.000000e+00 : f32
      %add3A_28 = vector.broadcast %add3A : f32 to vector<1000xf32>
      %add3A_29 = arith.addf %add3A_28, %reduce_sum3A_27 : vector<1000xf32>
      %rsqrt3A = math.rsqrt %add3A_29 : vector<1000xf32>
      %get3A_30 = arith.constant 0 : index
      %get3A_31 = arith.constant 0 : index
      %get3A_32 = arith.constant 0 : index
      %get3A_33 = vector.load %arg2[%get3A_30, %get3A_31, %get3A_32] : memref<2x1000x128xf32, #tpu.memory_space<vmem>>, vector<1x1000x128xf32>
      %get3A_34 = vector.shape_cast %get3A_33 : vector<1x1000x128xf32> to vector<1000x128xf32>
      %get3A_35 = arith.constant 1 : index
      %get3A_36 = arith.constant 0 : index
      %get3A_37 = arith.constant 0 : index
      %get3A_38 = vector.load %arg2[%get3A_35, %get3A_36, %get3A_37] : memref<2x1000x128xf32, #tpu.memory_space<vmem>>, vector<1x1000x128xf32>
      %get3A_39 = vector.shape_cast %get3A_38 : vector<1x1000x128xf32> to vector<1000x128xf32>
      %add3A_40 = arith.addf %get3A_34, %get3A_39 : vector<1000x128xf32>
      %get3A_41 = arith.constant 0 : index
      %get3A_42 = arith.constant 0 : index
      %get3A_43 = vector.load %arg3[%get3A_41, %get3A_42] : memref<1000x128xf32, #tpu.memory_space<vmem>>, vector<1000x128xf32>
      %add3A_44 = arith.addf %add3A_40, %get3A_43 : vector<1000x128xf32>
      %broadcast_in_dim3A_45 = vector.shape_cast %rsqrt3A : vector<1000xf32> to vector<1000x1xf32>
      %mul3A = vector.broadcast %broadcast_in_dim3A_45 : vector<1000x1xf32> to vector<1000x128xf32>
      %mul3A_46 = arith.mulf %add3A_44, %mul3A : vector<1000x128xf32>
      %get3A_47 = arith.constant 0 : index
      %get3A_48 = arith.constant 0 : index
      %get3A_49 = vector.load %arg6[%get3A_47, %get3A_48] : memref<1x128xf32, #tpu.memory_space<vmem>>, vector<1x128xf32>
      %get3A_50 = vector.shape_cast %get3A_49 : vector<1x128xf32> to vector<128xf32>
      %broadcast_in_dim3A_51 = vector.shape_cast %get3A_50 : vector<128xf32> to vector<1x128xf32>
      %add3A_52 = vector.broadcast %broadcast_in_dim3A_51 : vector<1x128xf32> to vector<1000x128xf32>
      %add3A_53 = arith.addf %mul3A_46, %add3A_52 : vector<1000x128xf32>
      %mul3A_54 = arith.constant 1000 : i32
      %mul3A_55 = arith.muli %arg1, %mul3A_54 : i32
      %swap3A = arith.index_cast %mul3A_55 : i32 to index
      %swap3A_56 = arith.constant 0 : index
      %swap3A_57 = vector.load %arg11[%swap3A, %swap3A_56] : memref<10000x128xf32, #tpu.memory_space<vmem>>, vector<1000x128xf32>
      tpu.vector_store %arg11[%swap3A, %swap3A_56], %add3A_53 {strides = array<i32>} : memref<10000x128xf32, #tpu.memory_space<vmem>>, vector<1000x128xf32>,
      %get3A_58 = arith.constant 0 : index
      %get3A_59 = arith.constant 0 : index
      %get3A_60 = vector.load %arg12[%get3A_58, %get3A_59] : memref<64x128xf32, #tpu.memory_space<vmem>>, vector<64x128xf32>
      %dot_general3A = arith.constant dense<0.000000e+00> : vector<64x128xf32>
      %dot_general3A_61 = tpu.matmul %convert_element_type3A_11, %add3A_53, %dot_general3A {dimension_numbers = #tpu.dot_dimension_numbers<[1], [0], [0], [1], [0, 0, 1, 1], [], []>, transpose_lhs_hint = false} : vector<64x1000xf32>, vector<1000x128xf32>, vector<64x128xf32> -> vector<64x128xf32>
      %add3A_62 = arith.addf %get3A_60, %dot_general3A_61 : vector<64x128xf32>
      %swap3A_63 = arith.constant 0 : index
      %swap3A_64 = arith.constant 0 : index
      %swap3A_65 = vector.load %arg12[%swap3A_63, %swap3A_64] : memref<64x128xf32, #tpu.memory_space<vmem>>, vector<64x128xf32>
      tpu.vector_store %arg12[%swap3A_63, %swap3A_64], %add3A_62 {strides = array<i32>} : memref<64x128xf32, #tpu.memory_space<vmem>>, vector<64x128xf32>,
      %get3A_66 = arith.constant 0 : index
      %get3A_67 = arith.constant 0 : index
      %get3A_68 = vector.load %arg13[%get3A_66, %get3A_67] : memref<64x128xf32, #tpu.memory_space<vmem>>, vector<64x128xf32>
      %mul3A_69 = arith.mulf %add3A_53, %add3A_53 : vector<1000x128xf32>
      %dot_general3A_70 = arith.constant dense<0.000000e+00> : vector<64x128xf32>
      %dot_general3A_71 = tpu.matmul %convert_element_type3A_11, %mul3A_69, %dot_general3A_70 {dimension_numbers = #tpu.dot_dimension_numbers<[1], [0], [0], [1], [0, 0, 1, 1], [], []>, transpose_lhs_hint = false} : vector<64x1000xf32>, vector<1000x128xf32>, vector<64x128xf32> -> vector<64x128xf32>
      %add3A_72 = arith.addf %get3A_68, %dot_general3A_71 : vector<64x128xf32>
      %swap3A_73 = arith.constant 0 : index
      %swap3A_74 = arith.constant 0 : index
      %swap3A_75 = vector.load %arg13[%swap3A_73, %swap3A_74] : memref<64x128xf32, #tpu.memory_space<vmem>>, vector<64x128xf32>
      tpu.vector_store %arg13[%swap3A_73, %swap3A_74], %add3A_72 {strides = array<i32>} : memref<64x128xf32, #tpu.memory_space<vmem>>, vector<64x128xf32>,
      %get3A_76 = arith.constant 0 : index
      %get3A_77 = arith.constant 0 : index
      %get3A_78 = vector.load %arg14[%get3A_76, %get3A_77] : memref<64x128xf32, #tpu.memory_space<vmem>>, vector<64x128xf32>
      %reduce_sum3A_79 = arith.constant dense<0.000000e+00> : vector<64xf32>
      %reduce_sum3A_80 = vector.multi_reduction <add>, %convert_element_type3A_11, %reduce_sum3A_79 [1] : vector<64x1000xf32> to vector<64xf32>
      %broadcast_in_dim3A_81 = vector.shape_cast %reduce_sum3A_80 : vector<64xf32> to vector<64x1xf32>
      %add3A_82 = vector.broadcast %broadcast_in_dim3A_81 : vector<64x1xf32> to vector<64x128xf32>
      %add3A_83 = arith.addf %get3A_78, %add3A_82 : vector<64x128xf32>
      %swap3A_84 = arith.constant 0 : index
      %swap3A_85 = arith.constant 0 : index
      %swap3A_86 = vector.load %arg14[%swap3A_84, %swap3A_85] : memref<64x128xf32, #tpu.memory_space<vmem>>, vector<64x128xf32>
      tpu.vector_store %arg14[%swap3A_84, %swap3A_85], %add3A_83 {strides = array<i32>} : memref<64x128xf32, #tpu.memory_space<vmem>>, vector<64x128xf32>,
    } else {
    }
    %eq3A_17 = arith.constant 1 : i32
    %eq3A_18 = arith.cmpi eq, %arg0, %eq3A_17 : i32
    %convert_element_type3A_19 = arith.extui %eq3A_18 : i1 to i32
    %cond3A_20 = arith.constant 0 : i32
    %cond3A_21 = arith.cmpi ne, %convert_element_type3A_19, %cond3A_20 : i32
    scf.if %cond3A_21 {
      %eq3A_22 = arith.constant 0 : i32
      %eq3A_23 = arith.cmpi eq, %arg1, %eq3A_22 : i32
      %convert_element_type3A_24 = arith.extui %eq3A_23 : i1 to i32
      %cond3A_25 = arith.constant 0 : i32
      %cond3A_26 = arith.cmpi ne, %convert_element_type3A_24, %cond3A_25 : i32
      scf.if %cond3A_26 {
        %get3A_58 = arith.constant 0 : index
        %get3A_59 = arith.constant 0 : index
        %get3A_60 = vector.load %arg14[%get3A_58, %get3A_59] : memref<64x128xf32, #tpu.memory_space<vmem>>, vector<64x128xf32>
        %max3A_61 = arith.constant 1.000000e+00 : f32
        %max3A_62 = vector.broadcast %max3A_61 : f32 to vector<64x128xf32>
        %max3A_63 = arith.maximumf %get3A_60, %max3A_62 : vector<64x128xf32>
        %get3A_64 = arith.constant 0 : index
        %get3A_65 = arith.constant 0 : index
        %get3A_66 = vector.load %arg12[%get3A_64, %get3A_65] : memref<64x128xf32, #tpu.memory_space<vmem>>, vector<64x128xf32>
        %div3A = arith.divf %get3A_66, %max3A_63 : vector<64x128xf32>
        %get3A_67 = arith.constant 0 : index
        %get3A_68 = arith.constant 0 : index
        %get3A_69 = vector.load %arg9[%get3A_67, %get3A_68] : memref<1x128xf32, #tpu.memory_space<vmem>>, vector<1x128xf32>
        %get3A_70 = vector.shape_cast %get3A_69 : vector<1x128xf32> to vector<128xf32>
        %broadcast_in_dim3A_71 = vector.shape_cast %get3A_70 : vector<128xf32> to vector<1x128xf32>
        %get3A_72 = arith.constant 0 : index
        %get3A_73 = arith.constant 0 : index
        %get3A_74 = vector.load %arg13[%get3A_72, %get3A_73] : memref<64x128xf32, #tpu.memory_space<vmem>>, vector<64x128xf32>
        %div3A_75 = arith.divf %get3A_74, %max3A_63 : vector<64x128xf32>
        %mul3A_76 = arith.constant 2.000000e+00 : f32
        %mul3A_77 = vector.broadcast %mul3A_76 : f32 to vector<1x128xf32>
        %mul3A_78 = arith.mulf %mul3A_77, %broadcast_in_dim3A_71 : vector<1x128xf32>
        %mul3A_79 = arith.mulf %broadcast_in_dim3A_71, %broadcast_in_dim3A_71 : vector<1x128xf32>
        %sub3A_80 = arith.subf %mul3A_78, %mul3A_79 : vector<1x128xf32>
        %mul3A_81 = vector.broadcast %sub3A_80 : vector<1x128xf32> to vector<64x128xf32>
        %mul3A_82 = arith.mulf %mul3A_81, %div3A : vector<64x128xf32>
        %mul3A_83 = arith.mulf %mul3A_82, %div3A : vector<64x128xf32>
        %sub3A_84 = arith.subf %div3A_75, %mul3A_83 : vector<64x128xf32>
        %mul3A_85 = vector.broadcast %broadcast_in_dim3A_71 : vector<1x128xf32> to vector<64x128xf32>
        %mul3A_86 = arith.mulf %div3A, %mul3A_85 : vector<64x128xf32>
        %swap3A_87 = arith.constant 0 : index
        %swap3A_88 = arith.constant 0 : index
        %swap3A_89 = vector.load %arg15[%swap3A_87, %swap3A_88] : memref<64x128xf32, #tpu.memory_space<vmem>>, vector<64x128xf32>
        tpu.vector_store %arg15[%swap3A_87, %swap3A_88], %mul3A_86 {strides = array<i32>} : memref<64x128xf32, #tpu.memory_space<vmem>>, vector<64x128xf32>,
        %add3A_90 = arith.constant 9.99999974E-6 : f32
        %add3A_91 = vector.broadcast %add3A_90 : f32 to vector<64x128xf32>
        %add3A_92 = arith.addf %sub3A_84, %add3A_91 : vector<64x128xf32>
        %rsqrt3A = math.rsqrt %add3A_92 : vector<64x128xf32>
        %swap3A_93 = arith.constant 0 : index
        %swap3A_94 = arith.constant 0 : index
        %swap3A_95 = vector.load %arg16[%swap3A_93, %swap3A_94] : memref<64x128xf32, #tpu.memory_space<vmem>>, vector<64x128xf32>
        tpu.vector_store %arg16[%swap3A_93, %swap3A_94], %rsqrt3A {strides = array<i32>} : memref<64x128xf32, #tpu.memory_space<vmem>>, vector<64x128xf32>,
      } else {
      }
      %mul3A = arith.constant 1000 : i32
      %mul3A_27 = arith.muli %arg1, %mul3A : i32
      %get3A_28 = arith.index_cast %mul3A_27 : i32 to index
      %get3A_29 = arith.constant 0 : index
      %get3A_30 = vector.load %arg11[%get3A_28, %get3A_29] : memref<10000x128xf32, #tpu.memory_space<vmem>>, vector<1000x128xf32>
      %get3A_31 = arith.constant 0 : index
      %get3A_32 = arith.constant 0 : index
      %get3A_33 = vector.load %arg15[%get3A_31, %get3A_32] : memref<64x128xf32, #tpu.memory_space<vmem>>, vector<64x128xf32>
      %dot_general3A = arith.constant dense<0.000000e+00> : vector<1000x128xf32>
      %dot_general3A_34 = tpu.matmul %convert_element_type3A_11, %get3A_33, %dot_general3A {dimension_numbers = #tpu.dot_dimension_numbers<[0], [0], [1], [1], [0, 1, 1, 1], [], []>, transpose_lhs_hint = false} : vector<64x1000xf32>, vector<64x128xf32>, vector<1000x128xf32> -> vector<1000x128xf32>
      %get3A_35 = arith.constant 0 : index
      %get3A_36 = arith.constant 0 : index
      %get3A_37 = vector.load %arg16[%get3A_35, %get3A_36] : memref<64x128xf32, #tpu.memory_space<vmem>>, vector<64x128xf32>
      %dot_general3A_38 = arith.constant dense<0.000000e+00> : vector<1000x128xf32>
      %dot_general3A_39 = tpu.matmul %convert_element_type3A_11, %get3A_37, %dot_general3A_38 {dimension_numbers = #tpu.dot_dimension_numbers<[0], [0], [1], [1], [0, 1, 1, 1], [], []>, transpose_lhs_hint = false} : vector<64x1000xf32>, vector<64x128xf32>, vector<1000x128xf32> -> vector<1000x128xf32>
      %get3A_40 = arith.constant 0 : index
      %get3A_41 = arith.constant 0 : index
      %get3A_42 = vector.load %arg7[%get3A_40, %get3A_41] : memref<1x128xf32, #tpu.memory_space<vmem>>, vector<1x128xf32>
      %get3A_43 = vector.shape_cast %get3A_42 : vector<1x128xf32> to vector<128xf32>
      %broadcast_in_dim3A_44 = vector.shape_cast %get3A_43 : vector<128xf32> to vector<1x128xf32>
      %sub3A = arith.subf %get3A_30, %dot_general3A_34 : vector<1000x128xf32>
      %mul3A_45 = vector.broadcast %broadcast_in_dim3A_44 : vector<1x128xf32> to vector<1000x128xf32>
      %mul3A_46 = arith.mulf %mul3A_45, %sub3A : vector<1000x128xf32>
      %mul3A_47 = arith.mulf %mul3A_46, %dot_general3A_39 : vector<1000x128xf32>
      %get3A_48 = arith.constant 0 : index
      %get3A_49 = arith.constant 0 : index
      %get3A_50 = vector.load %arg8[%get3A_48, %get3A_49] : memref<1x128xf32, #tpu.memory_space<vmem>>, vector<1x128xf32>
      %get3A_51 = vector.shape_cast %get3A_50 : vector<1x128xf32> to vector<128xf32>
      %broadcast_in_dim3A_52 = vector.shape_cast %get3A_51 : vector<128xf32> to vector<1x128xf32>
      %add3A = vector.broadcast %broadcast_in_dim3A_52 : vector<1x128xf32> to vector<1000x128xf32>
      %add3A_53 = arith.addf %mul3A_47, %add3A : vector<1000x128xf32>
      %max3A = arith.constant 0.000000e+00 : f32
      %max3A_54 = vector.broadcast %max3A : f32 to vector<1000x128xf32>
      %max3A_55 = arith.maximumf %add3A_53, %max3A_54 : vector<1000x128xf32>
      %swap3A = arith.constant 0 : index
      %swap3A_56 = arith.constant 0 : index
      %swap3A_57 = vector.load %arg10[%swap3A, %swap3A_56] : memref<1000x128xf32, #tpu.memory_space<vmem>>, vector<1000x128xf32>
      tpu.vector_store %arg10[%swap3A, %swap3A_56], %max3A_55 {strides = array<i32>} : memref<1000x128xf32, #tpu.memory_space<vmem>>, vector<1000x128xf32>,
    } else {
    }
    return
  }
  func.func @transform_0(%arg0: i32, %arg1: i32) -> (i32, i32, i32) {
    %c0_i32 = arith.constant 0 : i32
    %c0_i32_0 = arith.constant 0 : i32
    %c0_i32_1 = arith.constant 0 : i32
    return %c0_i32, %arg1, %c0_i32_0 : i32, i32, i32
  }
  func.func @transform_1(%arg0: i32, %arg1: i32) -> (i32, i32) {
    %c0_i32 = arith.constant 0 : i32
    %c0_i32_0 = arith.constant 0 : i32
    return %arg1, %c0_i32 : i32, i32
  }
  func.func @transform_2(%arg0: i32, %arg1: i32) -> (i32, i32, i32) {
    %c0_i32 = arith.constant 0 : i32
    %c0_i32_0 = arith.constant 0 : i32
    %c0_i32_1 = arith.constant 0 : i32
    return %arg1, %c0_i32, %c0_i32_0 : i32, i32, i32
  }
  func.func @transform_3(%arg0: i32, %arg1: i32) -> (i32, i32, i32) {
    %c0_i32 = arith.constant 0 : i32
    %c0_i32_0 = arith.constant 0 : i32
    %c0_i32_1 = arith.constant 0 : i32
    return %arg1, %c0_i32, %c0_i32_0 : i32, i32, i32
  }
  func.func @transform_4(%arg0: i32, %arg1: i32) -> (i32, i32) {
    %c0_i32 = arith.constant 0 : i32
    %c0_i32_0 = arith.constant 0 : i32
    %c0_i32_1 = arith.constant 0 : i32
    return %c0_i32, %c0_i32_0 : i32, i32
  }
  func.func @transform_5(%arg0: i32, %arg1: i32) -> (i32, i32) {
    %c0_i32 = arith.constant 0 : i32
    %c0_i32_0 = arith.constant 0 : i32
    %c0_i32_1 = arith.constant 0 : i32
    return %c0_i32, %c0_i32_0 : i32, i32
  }
  func.func @transform_6(%arg0: i32, %arg1: i32) -> (i32, i32) {
    %c0_i32 = arith.constant 0 : i32
    %c0_i32_0 = arith.constant 0 : i32
    %c0_i32_1 = arith.constant 0 : i32
    return %c0_i32, %c0_i32_0 : i32, i32
  }
  func.func @transform_7(%arg0: i32, %arg1: i32) -> (i32, i32) {
    %c0_i32 = arith.constant 0 : i32
    %c0_i32_0 = arith.constant 0 : i32
    %c0_i32_1 = arith.constant 0 : i32
    return %c0_i32, %c0_i32_0 : i32, i32
  }
  func.func @transform_8(%arg0: i32, %arg1: i32) -> (i32, i32) {
    %c0_i32 = arith.constant 0 : i32
    %c0_i32_0 = arith.constant 0 : i32
    return %arg1, %c0_i32 : i32, i32
  }
}

</mosaic_0001>

<sc_bundles>
// kernel: kernel.6.cloned.1.call-start
scs
__scs_entry_jumppad:
0x0: {  	(pc) =	sbr.rel $0x88, $3  }
0x1: {  	(tag) =	ssettag $0x0;
	lr =	simm.s32 $0x1  }
0x2: {  	[smem:$0x3F99] =	sst lr;
	_ =	strace $0xD0000000  }
0x3: {  	_ = 	snop  }
0x4: {  	_ = 	snop  }
0x5: {  	_ = 	snop  }
0x6: {  	_ = 	snop  }
0x7: {  	_ = 	snop  }
__scs_overlays_trampoline_lowered:
0x8: {  	[smem:$0x3FA8] =	sst s0  }
0x9: {  	[smem:$0x3FA9] =	sst s1  }
0xa: {  	[smem:$0x3FAA] =	sst s2  }
0xb: {  	[smem:$0x3FAB] =	sst s3  }
0xc: {  	[smem:$0x3FAC] =	sst s4  }
0xd: {  	[smem:$0x3FAD] =	sst s5  }
0xe: {  	[smem:$0x3FAE] =	sst s6  }
0xf: {  	[smem:$0x3FAF] =	sst s7  }
0x10: {  	[smem:$0x3FB0] =	sst s8  }
0x11: {  	[smem:$0x3FB1] =	sst s9;
	s0 =	simm.s32 @!p0 $0x0  }
0x12: {  	s1 =	sld [smem:$0x3F97];
	s0 =	simm.s32 @p0 $0x1  }
0x13: {  	[smem:$0x3FB2] =	sst s0;
	s0 =	simm.s32 @!p1 $0x0  }
0x14: {  	s2 =	sld [smem:$0x3F96];
	s0 =	simm.s32 @p1 $0x1  }
0x15: {  	[smem:$0x3FB3] =	sst s0;
	s0 =	simm.s32 @!p2 $0x0  }
0x16: {  	s3 =	sld [smem:$0x3FDB];
	s0 =	simm.s32 @p2 $0x1  }
0x17: {  	s4 =	simm.s32 $0x1BF5;
	[smem:$0x3FB5] =	sst s0  }
0x18: {  	s0 =	sld [smem:$0x3F98];
	_ =	swait.ge [sflag:s4], $0x0  }
0x19: {  	s7 =	sld [smem:$0x3F99]  }
0x1a: {  	s8 =	sadd.s32 $0xFFFFE003, lr  }
0x1b: {  	s9 =	sadd.s32 $0xFFFFFEF7, lr;
	s5 =	simm.s32 $0xFFFFFFFF;
	p2 =	slt.u32 s8, $0xFFFFF086  }
0x1c: {  	p1 =	slt.u32 s9, $0xF7A;
	s5 =	simm.s32 @!p2 $0x0  }
0x1d: {  	s5 =	simm.s32 @p1 $0x1;
	p0 =	seq.s32 s7, s2  }
0x1e: {  	s7 =	smul.u32 @!p0 $0xF7A, s2;
	p2 =	seq.s32 @!p0 s5, $0x0  }
0x1f: {  	s9 =	smul.u32 $0xF7A, s1;
	s8 =	simm.s32 @!p0 $0x1BF5;
	p2 =	por !p2, p0  }
0x20: {  	[sflag:s8] =	ssyncset.s32 @!p0 $0xFFFFF086;
	s6 =	sadd.s32 @!p0 s3, s7;
	s7 =	simm.s32 @!p0 $0x108  }
0x21: {  	s3 =	sadd.s32 s3, s9;
	s6 =	sadd.s32 @!p0 $0x88, s6;
	s7 =	simm.s32 @p2 $0x1082  }
0x22: {  	[simem:s7], [sflag:s8] =	dma.local @!p0 [hbm:s6], $0xF7A  }
0x23: {  	s9 =	sor.u32 $0xD0000000, s2;
	s6 =	simm.s32 $0x108;
	_ =	swait.ge @!p0 [sflag:s8], $0x0  }
0x24: {  	s3 =	sadd.s32 $0x88, s3;
	s6 =	simm.s32 @!p1 $0x1082;
	[sflag:s4] =	ssyncset.s32 $0xFFFFF086  }
0x25: {  	[simem:s6], [sflag:s4] =	dma.local [hbm:s3], $0xF7A  }
0x26: {  	[smem:$0x3F99] =	sst s1;
	(tag) =	ssettag s2;
	_ =	strace s9  }
0x27: {  	s1 =	sld [smem:$0x3FA9]  }
0x28: {  	s2 =	sld [smem:$0x3FAA]  }
0x29: {  	s4 =	sld [smem:$0x3FAC]  }
0x2a: {  	p0 =	seq.s32 s5, $0x0;
	s5 =	sld [smem:$0x3FAD]  }
0x2b: {  	s6 =	sld [smem:$0x3FAE]  }
0x2c: {  	s7 =	sld [smem:$0x3FAF]  }
0x2d: {  	s3 =	simm.s32 $0x108;
	s8 =	sld [smem:$0x3FB0]  }
0x2e: {  	s3 =	simm.s32 @!p0 $0x1082;
	s9 =	sld [smem:$0x3FB1]  }
0x2f: {  	lr =	sadd.s32 s0, s3;
	s0 =	sld [smem:$0x3FA8]  }
0x30: {  	s3 =	sld [smem:$0x3FAB]  }
0x31: {  	[smem:$0x3FB4] =	sst s10  }
0x32: {  	s10 =	sld [smem:$0x3FB2];
	_ =	sdelay $0x3  }
0x33: {  	p0 =	seq.s32 s10, $0x1;
	s10 =	sld [smem:$0x3FB4];
	_ =	sdelay $0x3  }
0x34: {  	[smem:$0x3FB4] =	sst s10  }
0x35: {  	s10 =	sld [smem:$0x3FB3];
	_ =	sdelay $0x3  }
0x36: {  	p1 =	seq.s32 s10, $0x1;
	s10 =	sld [smem:$0x3FB4];
	_ =	sdelay $0x3  }
0x37: {  	[smem:$0x3FB4] =	sst s10  }
0x38: {  	s10 =	sld [smem:$0x3FB5]  }
0x39: {  	_ = 	snop;
	(pc) =	sbr.ind lr, $3  }
0x3a: {  	_ = 	snop  }
0x3b: {  	_ = 	snop  }
0x3c: {  	p2 =	seq.s32 s10, $0x1;
	s10 =	sld [smem:$0x3FB4]  }
0x3d: {  	_ =	shalt  }
0x3e: {  	_ =	shalt  }
0x3f: {  	_ =	shalt  }
0x40: {  	_ =	shalt  }
0x41: {  	_ =	shalt  }
0x42: {  	_ =	shalt  }
0x43: {  	_ =	shalt  }
0x44: {  	_ =	shalt  }
0x45: {  	_ =	shalt  }
0x46: {  	_ =	shalt  }
0x47: {  	_ =	shalt  }
0x48: {  	_ =	shalt  }
0x49: {  	_ =	shalt  }
0x4a: {  	_ =	shalt  }
0x4b: {  	_ =	shalt  }
0x4c: {  	_ =	shalt  }
0x4d: {  	_ =	shalt  }
0x4e: {  	_ =	shalt  }
0x4f: {  	_ =	shalt  }
0x50: {  	_ =	shalt  }
0x51: {  	_ =	shalt  }
0x52: {  	_ =	shalt  }
0x53: {  	_ =	shalt  }
0x54: {  	_ =	shalt  }
0x55: {  	_ =	shalt  }
0x56: {  	_ =	shalt  }
0x57: {  	_ =	shalt  }
0x58: {  	_ =	shalt  }
0x59: {  	_ =	shalt  }
0x5a: {  	_ =	shalt  }
0x5b: {  	_ =	shalt  }
0x5c: {  	_ =	shalt  }
0x5d: {  	_ =	shalt  }
0x5e: {  	_ =	shalt  }
0x5f: {  	_ =	shalt  }
0x60: {  	_ =	shalt  }
0x61: {  	_ =	shalt  }
0x62: {  	_ =	shalt  }
0x63: {  	_ =	shalt  }
0x64: {  	_ =	shalt  }
0x65: {  	_ =	shalt  }
0x66: {  	_ =	shalt  }
0x67: {  	_ =	shalt  }
0x68: {  	_ =	shalt  }
0x69: {  	_ =	shalt  }
0x6a: {  	_ =	shalt  }
0x6b: {  	_ =	shalt  }
0x6c: {  	_ =	shalt  }
0x6d: {  	_ =	shalt  }
0x6e: {  	_ =	shalt  }
0x6f: {  	_ =	shalt  }
0x70: {  	_ =	shalt  }
0x71: {  	_ =	shalt  }
0x72: {  	_ =	shalt  }
0x73: {  	_ =	shalt  }
0x74: {  	_ =	shalt  }
0x75: {  	_ =	shalt  }
0x76: {  	_ =	shalt  }
0x77: {  	_ =	shalt  }
0x78: {  	_ =	shalt  }
0x79: {  	_ =	shalt  }
0x7a: {  	_ =	shalt  }
0x7b: {  	_ =	shalt  }
0x7c: {  	_ =	shalt  }
0x7d: {  	_ =	shalt  }
0x7e: {  	_ =	shalt  }
0x7f: {  	_ =	shalt  }
0x80: {  	_ =	shalt  }
0x81: {  	_ =	shalt  }
0x82: {  	_ =	shalt  }
0x83: {  	_ =	shalt  }
0x84: {  	_ =	shalt  }
0x85: {  	_ =	shalt  }
0x86: {  	_ =	shalt  }
0x87: {  	_ =	shalt  }
.Lfunc_end0:
.L_simem_size_0:
called_computation_lowered:
.L_overlay_start_0:
0x88: {  	s2 =	sld [smem:$0x3FD9]  }
0x89: {  	s3 =	sld [smem:$0x3FFE];
	_ =	sdelay $0x1  }
0x8a: {  	s1 =	srdreg.scid  }
0x8b: {  	s0 =	sand.u32 $0x1, s1  }
0x8c: {  	s17 =	sshll.u32 s0, $0xA;
	s2 =	sadd.s32 s3, s2  }
0x8d: {  	s2 =	sadd.s32 s2, s17  }
0x8e: {  	[smem:$0x3FC0] =	sst s2  }
0x8f: {  	_ = 	snop  }
0x90: {  	s2 =	sld [smem:$0x3FD0];
	(tm) =	ssettm $0x1  }
0x91: {  	s18 =	sld [smem:$0x3FFB];
	_ =	sdelay $0x3  }
0x92: {  	_ =	strace s18  }
0x93: {  	s3 =	sld [smem:$0x3FFC];
	_ =	sdelay $0x3  }
0x94: {  	_ =	strace s3  }
0x95: {  	s3 =	sld [smem:$0x3FFD];
	_ =	sdelay $0x3  }
0x96: {  	_ =	strace s3  }
0x97: {  	_ =	strace $0x8FFFFFFF  }
0x98: {  	s19 =	sld [smem:$0x3FDB];
	_ =	sdelay $0x1  }
0x99: {  	s4 =	simm.s32 $_scs_section_size  }
0x9a: {  	s5 =	simm.s32 $_size__tile_overlayer_lowered;
	s6 =	simm.s32 $_tile_overlayer_lowered  }
0x9b: {  	s22 =	simm.s32 $0x1BFF;
	s21 =	sshll.u32 s6, $0x1;
	s3 =	sadd.s32 s4, s19  }
0x9c: {  	s7 =	simm.s32 $0x0;
	s20 =	sshll.u32 s5, $0x1;
	s5 =	sadd.s32 s21, s3  }
0x9d: {  	[timem:s7], [sflag:s22] =	dma.local [hbm:s5], s20  }
0x9e: {  	_ =	swait.ge [sflag:s22], s20  }
0x9f: {  	s4 =	ssub.s32 $0x0, s20;
	[sflag:s22] =	ssyncset.done $0x0  }
0xa0: {  	[sflag:s22] =	ssyncadd.s32 s4;
	_ =	sdelay $0x1  }
0xa1: {  	s23 =	simm.s32 $0x1B8B  }
0xa2: {  	_ =	swait.ge [sflag:s23], $0x1  }
0xa3: {  	[sflag:s23] =	ssyncset.done $0x0  }
0xa4: {  	s25 =	simm.s32 $0x1B8E;
	s24 =	sld [smem:$0x3FFE];
	[sflag:s23] =	ssyncadd.s32 $0xFFFFFFFF  }
0xa5: {  	s26 =	simm.s32 $execute0_lowered;
	[smem:$0x3FD2] =	sst s25  }
0xa6: {  	s5 =	sshll.u32 s26, $0x1;
	_ =	strace $0x80000046;
	[dreg:$0x1] =	wrdreg $0xFFFFFFFF  }
0xa7: {  	s28 =	simm.s32 $_size_execute0_lowered;
	s3 =	sadd.s32 s3, s5;
	[dreg:$0x0] =	wrdreg $0x0  }
0xa8: {  	s5 =	sshll.u32 s28, $0x1;
	[dreg:$0x2] =	wrdreg s3  }
0xa9: {  	[dreg:$0x3] =	wrdreg s5  }
0xaa: {  	[dreg:$0x4] =	wrdreg $0xC0  }
0xab: {  	_ =	task [dreg:s7], $0x5FFFF  }
0xac: {  	[dreg:$0x1] =	wrdreg $0xFFFFFFFF  }
0xad: {  	[dreg:$0x0] =	wrdreg $0x60  }
0xae: {  	[dreg:$0x2] =	wrdreg s2  }
0xaf: {  	[dreg:$0x3] =	wrdreg s24  }
0xb0: {  	[dreg:$0x4] =	wrdreg $0x9  }
0xb1: {  	_ =	task.clear_ibuf [dreg:s7], $0x5FFFF;
	_ =	strace $0x90000046  }
0xb2: {  	s29 =	simm.s32 $0x9;
	_ =	strace $0x80000048  }
0xb3: {  	_ =	swait.ge [sflag:s29], $0x1  }
0xb4: {  	[sflag:s29] =	ssyncadd.s32 $0xFFFFFFFF  }
0xb5: {  	_ =	strace $0x90000048  }
0xb6: {  	_ =	sfence  }
0xb7: {  	s30 =	sld [smem:$0x0];
	_ =	sdelay $0x2  }
0xb8: {  	s31 =	sshll.u32 s1, $0xD;
	s1 =	sshrl.u32 s1, $0x2  }
0xb9: {  	s3 =	sand.u32 $0x4000, s31;
	s1 =	sadd.s32 s1, s30  }
0xba: {  	s0 =	sor.u32 s3, s0;
	s1 =	sshll.u32 s1, $0x11  }
0xbb: {  	s0 =	sor.u32 s1, s0  }
0xbc: {  	s0 =	sadd.s32 $0x8F2B, s0  }
0xbd: {  	[sflag:s0] =	ssyncadd.remote.s32 $0x1  }
0xbe: {  	_ =	sfence.sel $0xFFFF  }
0xbf: {  	[dreg:$0x0] =	wrdreg $0xFFFFFFFF;
	(pc) =	sbr.abs _section_cstart, $3  }
0xc0: {  	[dreg:$0x1] =	wrdreg $0xFFFFFFFF  }
0xc1: {  	_ =	task.clear_ibuf [dreg:s7], $0x2FFFF;
	_ =	strace $0x9FFFFFFF  }
0xc2: {  	(tm) =	ssettm $0x7FFFFFFF  }
0xc3: {  	_ =	shalt  }
tec
execute0_lowered:
.L_overlay_start_1:
0x0: {  	(tag) =	ssettag $0x1  }
0x1: {  	s0 =	srdreg.scid;
	s3 =	rddreg [dreg:$0x0]  }
0x2: {  	s5 =	rddreg [dreg:$0x1];
	s1 =	stileid.u32;
	s2 =	simm.s32 $0x0  }
0x3: {  	s15 =	simm.s32 $0x1;
	s16 =	simm.s32 $0x2780;
	s17 =	simm.s32 $0x2B68  }
0x4: {  	s18 =	simm.s32 $0x2F50;
	s19 =	simm.s32 $0x3338;
	s20 =	simm.s32 $0x3720  }
0x5: {  	s21 =	simm.s32 $0x3B08;
	s22 =	simm.s32 $0x3EF0;
	s4 =	sand.u32 $0x1, s0  }
0x6: {  	s23 =	simm.s32 $0x42D8;
	s24 =	simm.s32 $0x46C0;
	s6 =	sshll.u32 s4, $0x4  }
0x7: {  	s25 =	simm.s32 $0x4AA8;
	s26 =	simm.s32 $0x0;
	s6 =	sor.u32 s1, s6  }
0x8: {  	s0 =	rddreg [dreg:$0x2];
	s4 =	ssub.s32 $0x2, s4;
	s7 =	smul.u32 $0x3E8, s6  }
0x9: {  	[smem:$0x7FF] =	sst s2;
	s9 =	sshrl.u32 s4, $0x1;
	s8 =	smul.u32 $0x4E2, s6  }
0xa: {  	s5 =	sadd.s32 $0x2400, s5;
	s6 =	smul.u32 $0x7D, s6;
	s14 =	ssub.s32 s4, s9  }
0xb: {  	_ =	strace $0x80000047;
	s14 =	smax.u32 s14, $0x1;
	s7 =	sshrl.u32 s7, $0x3  }
0xc: {  	s3 =	sadd.s32 s3, s8;
	s4 =	sadd.s32 s5, s6;
	s13 =	sadd.s32 s5, s7  }
0xd: {  	s5 =	sadd.s32 $0xFA0, s13;
	s6 =	sadd.s32 $0x1F40, s13;
	s7 =	sadd.s32 $0x2EE0, s13  }
0xe: {  	s8 =	sadd.s32 $0x3E80, s13;
	s9 =	sadd.s32 $0x4E20, s13;
	s10 =	sadd.s32 $0x5DC0, s13  }
0xf: {  	v0 =	vimm.f32 $0.0e+00;
	v1 =	vimm.f32 $1.000000000e+00;
	s11 =	sadd.s32 $0x6D60, s13;
	s12 =	sadd.s32 $0x7D00, s13;
	s13 =	sadd.s32 $0x8CA0, s13  }
.LBB2_1:
0x10: {  	s28 =	simm.s32 $0x40;
	s29 =	simm.s32 $0x0  }
.LBB2_2:
0x11: {  	p0 =	sne.s32 s28, $0x9C00;
	[tilespmem:s29+$0x2780] =	vst v0;
	s29 =	smov.u32 s28;
	s28 =	sadd.s32 $0x40, s28  }
.Ltmp0:
0x12: {  	(pc) =	sbr.rel @p0 .LBB2_2-.Ltmp0, $2  }
0x13: {  	_ =	sdelay $0x2  }
0x14: {  	s29 =	sshra.s32 s29, $0x2  }
0x15: {  	[tilespmem:s29+$0x2780] =	vst v0;
	s28 =	simm.s32 $0x0  }
0x16: {  	[tilespmem:s28], [sflag:$0x1] =	stream.linear.gather [hbm4b:s3+s28], $0x2710, $0x38;
	[tilespmem:$0x4F00] =	vst v63  }
0x17: {  	_ =	swait.ge [sflag:s15], $0x2710  }
0x18: {  	[sflag:s15] =	ssyncset.done $0x0  }
0x19: {  	s29 =	simm.s32 $0x0;
	s28 =	simm.s32 $0x40;
	[sflag:s15] =	ssyncadd.s32 $0xFFFFD8F0  }
.LBB2_4:
0x1a: {  	p0 =	sne.s32 s28, $0x9C00;
	v2 =	vld [tilespmem:s29+$0x0];
	_ =	sdelay $0x3  }
.Ltmp1:
0x1b: {  	(pc) =	sbr.rel @p0 .LBB2_4-.Ltmp1, $2  }
0x1c: {  	_ =	sdelay $0x2  }
0x1d: {  	s29 =	sshra.s32 s28, $0x2;
	s28 =	sadd.s32 $0x40, s28;
	[tilespmem:v2+s16+$0x0] =	vst.idx.add.f32.msk $0xffff, v1  }
0x1e: {  	v2 =	vld [tilespmem:s29+$0x0];
	_ =	sdelay $0x7  }
0x1f: {  	[tilespmem:v2+s16+$0x0] =	vst.idx.add.f32.msk $0xffff, v1  }
0x20: {  	[hbm4b:s4+s2] =	stream.linear.scatter [tilespmem:s16], [sflag:$0x1], $0x3E8, $0x38;
	[tilespmem:$0x4F00] =	vst v63  }
0x21: {  	_ =	swait.ge [sflag:s15], $0x3E8  }
0x22: {  	[sflag:s15] =	ssyncset.done $0x0  }
0x23: {  	[sflag:s15] =	ssyncadd.s32 $0xFFFFFC18  }
0x24: {  	[hbm4b:s5+s2] =	stream.linear.scatter [tilespmem:s17], [sflag:$0x1], $0x3E8, $0x38;
	[tilespmem:$0x4F00] =	vst v63  }
0x25: {  	_ =	swait.ge [sflag:s15], $0x3E8  }
0x26: {  	[sflag:s15] =	ssyncset.done $0x0  }
0x27: {  	[sflag:s15] =	ssyncadd.s32 $0xFFFFFC18  }
0x28: {  	[hbm4b:s6+s2] =	stream.linear.scatter [tilespmem:s18], [sflag:$0x1], $0x3E8, $0x38;
	[tilespmem:$0x4F00] =	vst v63  }
0x29: {  	_ =	swait.ge [sflag:s15], $0x3E8  }
0x2a: {  	[sflag:s15] =	ssyncset.done $0x0  }
0x2b: {  	[sflag:s15] =	ssyncadd.s32 $0xFFFFFC18  }
0x2c: {  	[hbm4b:s7+s2] =	stream.linear.scatter [tilespmem:s19], [sflag:$0x1], $0x3E8, $0x38;
	[tilespmem:$0x4F00] =	vst v63  }
0x2d: {  	_ =	swait.ge [sflag:s15], $0x3E8  }
0x2e: {  	[sflag:s15] =	ssyncset.done $0x0  }
0x2f: {  	[sflag:s15] =	ssyncadd.s32 $0xFFFFFC18  }
0x30: {  	[hbm4b:s8+s2] =	stream.linear.scatter [tilespmem:s20], [sflag:$0x1], $0x3E8, $0x38;
	[tilespmem:$0x4F00] =	vst v63  }
0x31: {  	_ =	swait.ge [sflag:s15], $0x3E8  }
0x32: {  	[sflag:s15] =	ssyncset.done $0x0  }
0x33: {  	[sflag:s15] =	ssyncadd.s32 $0xFFFFFC18  }
0x34: {  	[hbm4b:s9+s2] =	stream.linear.scatter [tilespmem:s21], [sflag:$0x1], $0x3E8, $0x38;
	[tilespmem:$0x4F00] =	vst v63  }
0x35: {  	_ =	swait.ge [sflag:s15], $0x3E8  }
0x36: {  	[sflag:s15] =	ssyncset.done $0x0  }
0x37: {  	[sflag:s15] =	ssyncadd.s32 $0xFFFFFC18  }
0x38: {  	[hbm4b:s10+s2] =	stream.linear.scatter [tilespmem:s22], [sflag:$0x1], $0x3E8, $0x38;
	[tilespmem:$0x4F00] =	vst v63  }
0x39: {  	_ =	swait.ge [sflag:s15], $0x3E8  }
0x3a: {  	[sflag:s15] =	ssyncset.done $0x0  }
0x3b: {  	[sflag:s15] =	ssyncadd.s32 $0xFFFFFC18  }
0x3c: {  	[hbm4b:s11+s2] =	stream.linear.scatter [tilespmem:s23], [sflag:$0x1], $0x3E8, $0x38;
	[tilespmem:$0x4F00] =	vst v63  }
0x3d: {  	_ =	swait.ge [sflag:s15], $0x3E8  }
0x3e: {  	[sflag:s15] =	ssyncset.done $0x0  }
0x3f: {  	[sflag:s15] =	ssyncadd.s32 $0xFFFFFC18  }
0x40: {  	[hbm4b:s12+s2] =	stream.linear.scatter [tilespmem:s24], [sflag:$0x1], $0x3E8, $0x38;
	[tilespmem:$0x4F00] =	vst v63  }
0x41: {  	s26 =	sadd.s32 $0x1, s26;
	_ =	swait.ge [sflag:s15], $0x3E8  }
0x42: {  	p0 =	sne.s32 s26, s14;
	[sflag:s15] =	ssyncset.done $0x0  }
.Ltmp2:
0x43: {  	[sflag:s15] =	ssyncadd.s32 $0xFFFFFC18;
	(pc) =	sbr.rel @p0 .LBB2_1-.Ltmp2, $4  }
0x44: {  	[hbm4b:s13+s2] =	stream.linear.scatter [tilespmem:s25], [sflag:$0x1], $0x3E8, $0x38;
	[tilespmem:$0x4F00] =	vst v63  }
0x45: {  	_ =	swait.ge [sflag:s15], $0x3E8  }
0x46: {  	[sflag:s15] =	ssyncset.done $0x0  }
0x47: {  	[sflag:s15] =	ssyncadd.s32 $0xFFFFFC18  }
0x48: {  	_ =	sfence.sel $0x180000  }
0x49: {  	[bflag:$0x0] =	sbarrier.arrive $0xFFFF  }
0x4a: {  	p0 =	sne.s32 s1, $0x0;
	_ =	strace $0x90000047  }
0x4b: {  	s0 =	sadd.s32 @!p0 $0x100000, s0;
	[bflag:$0x2] =	sbarrier.arrive $0xFFFF  }
0x4c: {  	[sflag:s0] =	ssyncadd.tile.s32 @!p0 $0x1;
	_ =	shalt  }
.Lfunc_end2:
_tile_overlayer_lowered:
.L_overlay_start_2:
0x4d: {  	(tag) =	ssettag $0x2  }
0x4e: {  	s0 =	rddreg [dreg:$0x0];
	s2 =	stileid.u32  }
0x4f: {  	s1 =	rddreg [dreg:$0x1];
	p0 =	sne.s32 s2, $0x0  }
0x50: {  	s3 =	rddreg [dreg:$0x2];
	[bflag:$0x3] =	sbarrier.arrive $0xFFFF;
	s2 =	simm.s32 @!p0 $0x1C01  }
0x51: {  	[timem:s3], [sflag:s2] =	dma.local @!p0 [hbm:s0], s1  }
0x52: {  	s0 =	simm.s32 @!p0 $0x1  }
0x53: {  	_ =	swait.ge @!p0 [sflag:s0], s1  }
0x54: {  	s1 =	ssub.s32 @!p0 $0x0, s1;
	[sflag:s0] =	ssyncset.done @!p0 $0x0  }
0x55: {  	[sflag:s0] =	ssyncadd.s32 @!p0 s1  }
0x56: {  	[bflag:$0x3] =	sbarrier.arrive $0xFFFF  }
0x57: {  	_ =	shalt  }

// kernel: kernel.9.cloned.1.call-start
scs
__scs_entry_jumppad:
0x0: {  	(pc) =	sbr.rel $0x88, $3  }
0x1: {  	(tag) =	ssettag $0x0;
	lr =	simm.s32 $0x1  }
0x2: {  	[smem:$0x3F99] =	sst lr;
	_ =	strace $0xD0000000  }
0x3: {  	_ = 	snop  }
0x4: {  	_ = 	snop  }
0x5: {  	_ = 	snop  }
0x6: {  	_ = 	snop  }
0x7: {  	_ = 	snop  }
__scs_overlays_trampoline_lowered:
0x8: {  	[smem:$0x3FA8] =	sst s0  }
0x9: {  	[smem:$0x3FA9] =	sst s1  }
0xa: {  	[smem:$0x3FAA] =	sst s2  }
0xb: {  	[smem:$0x3FAB] =	sst s3  }
0xc: {  	[smem:$0x3FAC] =	sst s4  }
0xd: {  	[smem:$0x3FAD] =	sst s5  }
0xe: {  	[smem:$0x3FAE] =	sst s6  }
0xf: {  	[smem:$0x3FAF] =	sst s7  }
0x10: {  	[smem:$0x3FB0] =	sst s8  }
0x11: {  	[smem:$0x3FB1] =	sst s9;
	s0 =	simm.s32 @!p0 $0x0  }
0x12: {  	s1 =	sld [smem:$0x3F97];
	s0 =	simm.s32 @p0 $0x1  }
0x13: {  	[smem:$0x3FB2] =	sst s0;
	s0 =	simm.s32 @!p1 $0x0  }
0x14: {  	s2 =	sld [smem:$0x3F96];
	s0 =	simm.s32 @p1 $0x1  }
0x15: {  	[smem:$0x3FB3] =	sst s0;
	s0 =	simm.s32 @!p2 $0x0  }
0x16: {  	s3 =	sld [smem:$0x3FDB];
	s0 =	simm.s32 @p2 $0x1  }
0x17: {  	s4 =	simm.s32 $0x1BF5;
	[smem:$0x3FB5] =	sst s0  }
0x18: {  	s0 =	sld [smem:$0x3F98];
	_ =	swait.ge [sflag:s4], $0x0  }
0x19: {  	s7 =	sld [smem:$0x3F99]  }
0x1a: {  	s8 =	sadd.s32 $0xFFFFE003, lr  }
0x1b: {  	s9 =	sadd.s32 $0xFFFFFEF7, lr;
	s5 =	simm.s32 $0xFFFFFFFF;
	p2 =	slt.u32 s8, $0xFFFFF086  }
0x1c: {  	p1 =	slt.u32 s9, $0xF7A;
	s5 =	simm.s32 @!p2 $0x0  }
0x1d: {  	s5 =	simm.s32 @p1 $0x1;
	p0 =	seq.s32 s7, s2  }
0x1e: {  	s7 =	smul.u32 @!p0 $0xF7A, s2;
	p2 =	seq.s32 @!p0 s5, $0x0  }
0x1f: {  	s9 =	smul.u32 $0xF7A, s1;
	s8 =	simm.s32 @!p0 $0x1BF5;
	p2 =	por !p2, p0  }
0x20: {  	[sflag:s8] =	ssyncset.s32 @!p0 $0xFFFFF086;
	s6 =	sadd.s32 @!p0 s3, s7;
	s7 =	simm.s32 @!p0 $0x108  }
0x21: {  	s3 =	sadd.s32 s3, s9;
	s6 =	sadd.s32 @!p0 $0x88, s6;
	s7 =	simm.s32 @p2 $0x1082  }
0x22: {  	[simem:s7], [sflag:s8] =	dma.local @!p0 [hbm:s6], $0xF7A  }
0x23: {  	s9 =	sor.u32 $0xD0000000, s2;
	s6 =	simm.s32 $0x108;
	_ =	swait.ge @!p0 [sflag:s8], $0x0  }
0x24: {  	s3 =	sadd.s32 $0x88, s3;
	s6 =	simm.s32 @!p1 $0x1082;
	[sflag:s4] =	ssyncset.s32 $0xFFFFF086  }
0x25: {  	[simem:s6], [sflag:s4] =	dma.local [hbm:s3], $0xF7A  }
0x26: {  	[smem:$0x3F99] =	sst s1;
	(tag) =	ssettag s2;
	_ =	strace s9  }
0x27: {  	s1 =	sld [smem:$0x3FA9]  }
0x28: {  	s2 =	sld [smem:$0x3FAA]  }
0x29: {  	s4 =	sld [smem:$0x3FAC]  }
0x2a: {  	p0 =	seq.s32 s5, $0x0;
	s5 =	sld [smem:$0x3FAD]  }
0x2b: {  	s6 =	sld [smem:$0x3FAE]  }
0x2c: {  	s7 =	sld [smem:$0x3FAF]  }
0x2d: {  	s3 =	simm.s32 $0x108;
	s8 =	sld [smem:$0x3FB0]  }
0x2e: {  	s3 =	simm.s32 @!p0 $0x1082;
	s9 =	sld [smem:$0x3FB1]  }
0x2f: {  	lr =	sadd.s32 s0, s3;
	s0 =	sld [smem:$0x3FA8]  }
0x30: {  	s3 =	sld [smem:$0x3FAB]  }
0x31: {  	[smem:$0x3FB4] =	sst s10  }
0x32: {  	s10 =	sld [smem:$0x3FB2];
	_ =	sdelay $0x3  }
0x33: {  	p0 =	seq.s32 s10, $0x1;
	s10 =	sld [smem:$0x3FB4];
	_ =	sdelay $0x3  }
0x34: {  	[smem:$0x3FB4] =	sst s10  }
0x35: {  	s10 =	sld [smem:$0x3FB3];
	_ =	sdelay $0x3  }
0x36: {  	p1 =	seq.s32 s10, $0x1;
	s10 =	sld [smem:$0x3FB4];
	_ =	sdelay $0x3  }
0x37: {  	[smem:$0x3FB4] =	sst s10  }
0x38: {  	s10 =	sld [smem:$0x3FB5]  }
0x39: {  	_ = 	snop;
	(pc) =	sbr.ind lr, $3  }
0x3a: {  	_ = 	snop  }
0x3b: {  	_ = 	snop  }
0x3c: {  	p2 =	seq.s32 s10, $0x1;
	s10 =	sld [smem:$0x3FB4]  }
0x3d: {  	_ =	shalt  }
0x3e: {  	_ =	shalt  }
0x3f: {  	_ =	shalt  }
0x40: {  	_ =	shalt  }
0x41: {  	_ =	shalt  }
0x42: {  	_ =	shalt  }
0x43: {  	_ =	shalt  }
0x44: {  	_ =	shalt  }
0x45: {  	_ =	shalt  }
0x46: {  	_ =	shalt  }
0x47: {  	_ =	shalt  }
0x48: {  	_ =	shalt  }
0x49: {  	_ =	shalt  }
0x4a: {  	_ =	shalt  }
0x4b: {  	_ =	shalt  }
0x4c: {  	_ =	shalt  }
0x4d: {  	_ =	shalt  }
0x4e: {  	_ =	shalt  }
0x4f: {  	_ =	shalt  }
0x50: {  	_ =	shalt  }
0x51: {  	_ =	shalt  }
0x52: {  	_ =	shalt  }
0x53: {  	_ =	shalt  }
0x54: {  	_ =	shalt  }
0x55: {  	_ =	shalt  }
0x56: {  	_ =	shalt  }
0x57: {  	_ =	shalt  }
0x58: {  	_ =	shalt  }
0x59: {  	_ =	shalt  }
0x5a: {  	_ =	shalt  }
0x5b: {  	_ =	shalt  }
0x5c: {  	_ =	shalt  }
0x5d: {  	_ =	shalt  }
0x5e: {  	_ =	shalt  }
0x5f: {  	_ =	shalt  }
0x60: {  	_ =	shalt  }
0x61: {  	_ =	shalt  }
0x62: {  	_ =	shalt  }
0x63: {  	_ =	shalt  }
0x64: {  	_ =	shalt  }
0x65: {  	_ =	shalt  }
0x66: {  	_ =	shalt  }
0x67: {  	_ =	shalt  }
0x68: {  	_ =	shalt  }
0x69: {  	_ =	shalt  }
0x6a: {  	_ =	shalt  }
0x6b: {  	_ =	shalt  }
0x6c: {  	_ =	shalt  }
0x6d: {  	_ =	shalt  }
0x6e: {  	_ =	shalt  }
0x6f: {  	_ =	shalt  }
0x70: {  	_ =	shalt  }
0x71: {  	_ =	shalt  }
0x72: {  	_ =	shalt  }
0x73: {  	_ =	shalt  }
0x74: {  	_ =	shalt  }
0x75: {  	_ =	shalt  }
0x76: {  	_ =	shalt  }
0x77: {  	_ =	shalt  }
0x78: {  	_ =	shalt  }
0x79: {  	_ =	shalt  }
0x7a: {  	_ =	shalt  }
0x7b: {  	_ =	shalt  }
0x7c: {  	_ =	shalt  }
0x7d: {  	_ =	shalt  }
0x7e: {  	_ =	shalt  }
0x7f: {  	_ =	shalt  }
0x80: {  	_ =	shalt  }
0x81: {  	_ =	shalt  }
0x82: {  	_ =	shalt  }
0x83: {  	_ =	shalt  }
0x84: {  	_ =	shalt  }
0x85: {  	_ =	shalt  }
0x86: {  	_ =	shalt  }
0x87: {  	_ =	shalt  }
.Lfunc_end0:
.L_simem_size_0:
called_computation.1_lowered:
.L_overlay_start_0:
0x88: {  	s2 =	sld [smem:$0x3FD9]  }
0x89: {  	s3 =	sld [smem:$0x3FFE];
	_ =	sdelay $0x1  }
0x8a: {  	s1 =	srdreg.scid  }
0x8b: {  	s0 =	sand.u32 $0x1, s1  }
0x8c: {  	s17 =	sshll.u32 s0, $0xA;
	s2 =	sadd.s32 s3, s2  }
0x8d: {  	s2 =	sadd.s32 s2, s17  }
0x8e: {  	[smem:$0x3FC0] =	sst s2  }
0x8f: {  	_ = 	snop  }
0x90: {  	s2 =	sld [smem:$0x3FD0];
	(tm) =	ssettm $0x1  }
0x91: {  	s18 =	sld [smem:$0x3FFB];
	_ =	sdelay $0x3  }
0x92: {  	_ =	strace s18  }
0x93: {  	s3 =	sld [smem:$0x3FFC];
	_ =	sdelay $0x3  }
0x94: {  	_ =	strace s3  }
0x95: {  	s3 =	sld [smem:$0x3FFD];
	_ =	sdelay $0x3  }
0x96: {  	_ =	strace s3  }
0x97: {  	_ =	strace $0x8FFFFFFF  }
0x98: {  	s19 =	sld [smem:$0x3FDB];
	_ =	sdelay $0x1  }
0x99: {  	s4 =	simm.s32 $_scs_section_size  }
0x9a: {  	s5 =	simm.s32 $_size__tile_overlayer_lowered;
	s6 =	simm.s32 $_tile_overlayer_lowered  }
0x9b: {  	s22 =	simm.s32 $0x1BFF;
	s21 =	sshll.u32 s6, $0x1;
	s3 =	sadd.s32 s4, s19  }
0x9c: {  	s7 =	simm.s32 $0x0;
	s20 =	sshll.u32 s5, $0x1;
	s5 =	sadd.s32 s21, s3  }
0x9d: {  	[timem:s7], [sflag:s22] =	dma.local [hbm:s5], s20  }
0x9e: {  	_ =	swait.ge [sflag:s22], s20  }
0x9f: {  	s4 =	ssub.s32 $0x0, s20;
	[sflag:s22] =	ssyncset.done $0x0  }
0xa0: {  	[sflag:s22] =	ssyncadd.s32 s4;
	_ =	sdelay $0x1  }
0xa1: {  	s23 =	simm.s32 $0x1B8B  }
0xa2: {  	_ =	swait.ge [sflag:s23], $0x1  }
0xa3: {  	[sflag:s23] =	ssyncset.done $0x0  }
0xa4: {  	s25 =	simm.s32 $0x1B8E;
	s24 =	sld [smem:$0x3FFE];
	[sflag:s23] =	ssyncadd.s32 $0xFFFFFFFF  }
0xa5: {  	s26 =	simm.s32 $execute0_lowered;
	[smem:$0x3FD2] =	sst s25  }
0xa6: {  	s5 =	sshll.u32 s26, $0x1;
	_ =	strace $0x80000049;
	[dreg:$0x1] =	wrdreg $0xFFFFFFFF  }
0xa7: {  	s28 =	simm.s32 $_size_execute0_lowered;
	s3 =	sadd.s32 s3, s5;
	[dreg:$0x0] =	wrdreg $0x0  }
0xa8: {  	s5 =	sshll.u32 s28, $0x1;
	[dreg:$0x2] =	wrdreg s3  }
0xa9: {  	[dreg:$0x3] =	wrdreg s5  }
0xaa: {  	[dreg:$0x4] =	wrdreg $0xC0  }
0xab: {  	_ =	task [dreg:s7], $0x5FFFF  }
0xac: {  	[dreg:$0x1] =	wrdreg $0xFFFFFFFF  }
0xad: {  	[dreg:$0x0] =	wrdreg $0x60  }
0xae: {  	[dreg:$0x2] =	wrdreg s2  }
0xaf: {  	[dreg:$0x3] =	wrdreg s24  }
0xb0: {  	[dreg:$0x4] =	wrdreg $0xA8000  }
0xb1: {  	[dreg:$0x5] =	wrdreg $0x9  }
0xb2: {  	_ =	task.clear_ibuf [dreg:s7], $0x6FFFF;
	_ =	strace $0x90000049  }
0xb3: {  	s29 =	simm.s32 $0x9;
	_ =	strace $0x8000004B  }
0xb4: {  	_ =	swait.ge [sflag:s29], $0x1  }
0xb5: {  	[sflag:s29] =	ssyncadd.s32 $0xFFFFFFFF  }
0xb6: {  	_ =	strace $0x9000004B  }
0xb7: {  	_ =	sfence  }
0xb8: {  	s30 =	sld [smem:$0x0];
	_ =	sdelay $0x2  }
0xb9: {  	s31 =	sshll.u32 s1, $0xD;
	s1 =	sshrl.u32 s1, $0x2  }
0xba: {  	s3 =	sand.u32 $0x4000, s31;
	s1 =	sadd.s32 s1, s30  }
0xbb: {  	s0 =	sor.u32 s3, s0;
	s1 =	sshll.u32 s1, $0x11  }
0xbc: {  	s0 =	sor.u32 s1, s0  }
0xbd: {  	s0 =	sadd.s32 $0x8F2B, s0  }
0xbe: {  	[sflag:s0] =	ssyncadd.remote.s32 $0x1  }
0xbf: {  	_ =	sfence.sel $0xFFFF  }
0xc0: {  	[dreg:$0x0] =	wrdreg $0xFFFFFFFF;
	(pc) =	sbr.abs _section_cstart, $3  }
0xc1: {  	[dreg:$0x1] =	wrdreg $0xFFFFFFFF  }
0xc2: {  	_ =	task.clear_ibuf [dreg:s7], $0x2FFFF;
	_ =	strace $0x9FFFFFFF  }
0xc3: {  	(tm) =	ssettm $0x7FFFFFFF  }
tec
execute0_lowered:
.L_overlay_start_1:
0x0: {  	(tag) =	ssettag $0x1  }
0x1: {  	s0 =	rddreg [dreg:$0x0]  }
0x2: {  	s5 =	rddreg [dreg:$0x1]  }
0x3: {  	s1 =	srdreg.scid;
	s3 =	rddreg [dreg:$0x2]  }
0x4: {  	s2 =	stileid.u32;
	s4 =	simm.s32 $0x0;
	s17 =	simm.s32 $0x3  }
0x5: {  	s18 =	simm.s32 $0x1400;
	s19 =	simm.s32 $0x80;
	s20 =	simm.s32 $0x6800  }
0x6: {  	s21 =	simm.s32 $0x1;
	s22 =	simm.s32 $0x2;
	s23 =	simm.s32 $0x1380  }
0x7: {  	s24 =	simm.s32 $0x2700;
	s25 =	simm.s32 $0x2780;
	s26 =	simm.s32 $0x0  }
0x8: {  	s6 =	sand.u32 $0x1, s1;
	s8 =	smul.u32 $0x14000, s2;
	[smem:$0x7FF] =	sst s4  }
0x9: {  	s12 =	sadd.s32 $0x16200, s5;
	s13 =	sadd.s32 $0xC200, s5;
	s28 =	smul.u32 $0x50000, s2  }
0xa: {  	s7 =	smul.u32 $0x140000, s6;
	s29 =	ssub.s32 $0x2, s6;
	s6 =	sshll.u32 s6, $0x4  }
0xb: {  	_ =	strace $0x8000004A;
	s30 =	sshrl.u32 s29, $0x1;
	s9 =	sor.u32 s2, s6  }
0xc: {  	s31 =	sshrl.u32 s28, $0x2;
	s7 =	sadd.s32 s8, s7;
	s10 =	smul.u32 $0x2800, s9  }
0xd: {  	s15 =	ssub.s32 s29, s30;
	s11 =	smul.u32 $0x500, s9;
	s7 =	sshrl.u32 s7, $0x3  }
0xe: {  	s15 =	smax.u32 s15, $0x1;
	s14 =	sadd.s32 s7, s5;
	s5 =	sadd.s32 s31, s3  }
0xf: {  	s16 =	sshrl.u32 s10, $0x3;
	s10 =	sadd.s32 s12, s11;
	s11 =	sadd.s32 s13, s11  }
0x10: {  	s6 =	sadd.s32 $0x4000, s5;
	s7 =	sadd.s32 $0x8000, s5;
	s8 =	sadd.s32 $0xC000, s5  }
0x11: {  	s9 =	sadd.s32 $0x10000, s5;
	s16 =	sadd.s32 $0x280, s16;
	s14 =	sadd.s32 $0x20200, s14  }
0x12: {  	v0 =	vimm.f32 $0.0e+00;
	s12 =	sadd.s32 s12, s16;
	s13 =	sadd.s32 s13, s16;
	s16 =	simm.s32 $0x2800  }
.LBB2_1:
0x13: {  	s28 =	sand.u32 $0xFE00, s4  }
0x14: {  	s29 =	sand.u32 $0x70, s4;
	s30 =	sshrl.u32 s28, $0x2  }
0x15: {  	s28 =	simm.s32 $0x40;
	s30 =	sor.u32 s29, s30;
	s29 =	simm.s32 $0x0  }
.LBB2_2:
0x16: {  	p0 =	sne.s32 s28, $0xFFC0  }
0x17: {  	[tilespmem:s30+$0x2800] =	vst v0;
	s29 =	sadd.s32 $0x10, s29;
	s30 =	smov.u32 s28;
	s28 =	sadd.s32 $0x40, s28  }
.Ltmp0:
0x18: {  	(pc) =	sbr.rel @p0 .LBB2_2-.Ltmp0, $4  }
0x19: {  	_ = 	snop  }
0x1a: {  	s30 =	sand.u32 $0xFE00, s30  }
0x1b: {  	s31 =	sand.u32 $0x70, s29;
	s30 =	sshrl.u32 s30, $0x2  }
0x1c: {  	s30 =	sor.u32 s31, s30  }
0x1d: {  	[tilespmem:s30+$0x2800] =	vst v0  }
0x1e: {  	[spmem:s5] =	stream.linear.scatter [tilespmem:s16], [sflag:$0x3], $0x4000, $0x38;
	[tilespmem:$0x1E800] =	vst v63  }
0x1f: {  	_ =	swait.ge [sflag:s17], $0x4000  }
0x20: {  	[sflag:s17] =	ssyncset.done $0x0  }
0x21: {  	[sflag:s17] =	ssyncadd.s32 $0xFFFFC000  }
0x22: {  	[spmem:s6] =	stream.linear.scatter [tilespmem:s16], [sflag:$0x3], $0x4000, $0x38;
	[tilespmem:$0x1E800] =	vst v63  }
0x23: {  	_ =	swait.ge [sflag:s17], $0x4000  }
0x24: {  	[sflag:s17] =	ssyncset.done $0x0  }
0x25: {  	[sflag:s17] =	ssyncadd.s32 $0xFFFFC000  }
0x26: {  	[spmem:s7] =	stream.linear.scatter [tilespmem:s16], [sflag:$0x3], $0x4000, $0x38;
	[tilespmem:$0x1E800] =	vst v63  }
0x27: {  	_ =	swait.ge [sflag:s17], $0x4000  }
0x28: {  	[sflag:s17] =	ssyncset.done $0x0  }
0x29: {  	[sflag:s17] =	ssyncadd.s32 $0xFFFFC000  }
0x2a: {  	[spmem:s8] =	stream.linear.scatter [tilespmem:s16], [sflag:$0x3], $0x4000, $0x38;
	[tilespmem:$0x1E800] =	vst v63  }
0x2b: {  	_ =	swait.ge [sflag:s17], $0x4000  }
0x2c: {  	[sflag:s17] =	ssyncset.done $0x0  }
0x2d: {  	[sflag:s17] =	ssyncadd.s32 $0xFFFFC000  }
0x2e: {  	[spmem:s9] =	stream.linear.scatter [tilespmem:s16], [sflag:$0x3], $0x4000, $0x38;
	[tilespmem:$0x1E800] =	vst v63  }
0x2f: {  	_ =	swait.ge [sflag:s17], $0x4000  }
0x30: {  	[sflag:s17] =	ssyncset.done $0x0  }
0x31: {  	[sflag:s17] =	ssyncadd.s32 $0xFFFFC000  }
0x32: {  	s28 =	simm.s32 $0x0;
	[bflag:$0x0] =	sbarrier.arrive $0xFFFF  }
0x33: {  	[tilespmem:s28], [sflag:$0x3] =	stream.linear.gather [hbm4b:s10+s28], $0x1400, $0x38;
	[tilespmem:$0x1E800] =	vst v63  }
0x34: {  	_ =	swait.ge [sflag:s17], $0x1400  }
0x35: {  	[sflag:s17] =	ssyncset.done $0x0  }
0x36: {  	[sflag:s17] =	ssyncadd.s32 $0xFFFFEC00  }
0x37: {  	[tilespmem:s18], [sflag:$0x3] =	stream.linear.gather [hbm4b:s11+s28], $0x1400, $0x38;
	[tilespmem:$0x1E800] =	vst v63  }
0x38: {  	_ =	swait.ge [sflag:s17], $0x1400  }
0x39: {  	[sflag:s17] =	ssyncset.done $0x0  }
0x3a: {  	[sflag:s17] =	ssyncadd.s32 $0xFFFFEC00  }
0x3b: {  	[tilespmem:s16], [sflag:$0x1] =	stream.indirect.gather [hbm4b:s0+s19], $0x80, s28, s19, $0xb8;
	[tilespmem:$0x1E800] =	vst v63  }
0x3c: {  	s28 =	simm.s32 $0x80  }
0x3d: {  	[tilespmem:s20], [sflag:$0x2] =	stream.indirect.gather [hbm4b:s0+s19], $0x80, s28, s19, $0xb8;
	[tilespmem:$0x1E800] =	vst v63  }
0x3e: {  	_ =	swait.ge [sflag:s21], $0x4000  }
0x3f: {  	[sflag:s21] =	ssyncset.done $0x0  }
0x40: {  	s28 =	simm.s32 $0x1400;
	[sflag:s21] =	ssyncadd.s32 $0xFFFFC000  }
0x41: {  	[spmem:s3] =	stream.indirect.scatter.add.f32 [tilespmem:s16], [sflag:$0x3], $0x80, s28, s19, $0xb8;
	[tilespmem:$0x1E800] =	vst v63  }
0x42: {  	_ =	swait.ge [sflag:s17], $0x4000  }
0x43: {  	[sflag:s17] =	ssyncset.done $0x0  }
0x44: {  	s28 =	simm.s32 $0x100;
	[sflag:s17] =	ssyncadd.s32 $0xFFFFC000  }
0x45: {  	[tilespmem:s16], [sflag:$0x1] =	stream.indirect.gather [hbm4b:s0+s19], $0x80, s28, s19, $0xb8;
	[tilespmem:$0x1E800] =	vst v63  }
0x46: {  	_ =	swait.ge [sflag:s22], $0x4000  }
0x47: {  	[sflag:s22] =	ssyncset.done $0x0  }
0x48: {  	s28 =	simm.s32 $0x1480;
	[sflag:s22] =	ssyncadd.s32 $0xFFFFC000  }
0x49: {  	[spmem:s3] =	stream.indirect.scatter.add.f32 [tilespmem:s20], [sflag:$0x3], $0x80, s28, s19, $0xb8;
	[tilespmem:$0x1E800] =	vst v63  }
0x4a: {  	_ =	swait.ge [sflag:s17], $0x4000  }
0x4b: {  	s29 =	simm.s32 $0x800;
	s28 =	simm.s32 $0x100;
	[sflag:s17] =	ssyncset.done $0x0  }
.LBB2_4:
0x4c: {  	s30 =	sadd.s32 $0x80, s28  }
0x4d: {  	[sflag:s17] =	ssyncadd.s32 $0xFFFFC000;
	s31 =	smov.u32 s29;
	s1 =	sadd.s32 $0x400, s29  }
0x4e: {  	[tilespmem:s20], [sflag:$0x2] =	stream.indirect.gather [hbm4b:s0+s19], $0x80, s30, s19, $0xb8;
	[tilespmem:$0x1E800] =	vst v63  }
0x4f: {  	p0 =	sne.s32 s29, $0x4800;
	_ =	swait.ge [sflag:s21], $0x4000  }
0x50: {  	[sflag:s21] =	ssyncset.done $0x0  }
0x51: {  	s29 =	sadd.s32 $0x1400, s28;
	[sflag:s21] =	ssyncadd.s32 $0xFFFFC000  }
0x52: {  	[spmem:s3] =	stream.indirect.scatter.add.f32 [tilespmem:s16], [sflag:$0x3], $0x80, s29, s19, $0xb8;
	[tilespmem:$0x1E800] =	vst v63  }
0x53: {  	_ =	swait.ge [sflag:s17], $0x4000  }
0x54: {  	[sflag:s17] =	ssyncset.done $0x0  }
0x55: {  	s29 =	sadd.s32 $0x100, s28;
	[sflag:s17] =	ssyncadd.s32 $0xFFFFC000  }
0x56: {  	[tilespmem:s16], [sflag:$0x1] =	stream.indirect.gather [hbm4b:s0+s19], $0x80, s29, s19, $0xb8;
	[tilespmem:$0x1E800] =	vst v63  }
0x57: {  	_ =	swait.ge [sflag:s22], $0x4000  }
.Ltmp1:
0x58: {  	[sflag:s22] =	ssyncset.done $0x0;
	(pc) =	sbr.rel @p0 .LBB2_4-.Ltmp1, $4  }
0x59: {  	s28 =	sadd.s32 $0x1480, s28;
	[sflag:s22] =	ssyncadd.s32 $0xFFFFC000  }
0x5a: {  	[spmem:s3] =	stream.indirect.scatter.add.f32 [tilespmem:s20], [sflag:$0x3], $0x80, s28, s19, $0xb8;
	[tilespmem:$0x1E800] =	vst v63  }
0x5b: {  	_ =	swait.ge [sflag:s17], $0x4000  }
0x5c: {  	s29 =	smov.u32 s1;
	s28 =	sshra.s32 s31, $0x2;
	[sflag:s17] =	ssyncset.done $0x0  }
0x5d: {  	s1 =	sadd.s32 $0x80, s28;
	[sflag:s17] =	ssyncadd.s32 $0xFFFFC000  }
0x5e: {  	[tilespmem:s20], [sflag:$0x2] =	stream.indirect.gather [hbm4b:s0+s19], $0x80, s1, s19, $0xb8;
	[tilespmem:$0x1E800] =	vst v63  }
0x5f: {  	_ =	swait.ge [sflag:s21], $0x4000  }
0x60: {  	[sflag:s21] =	ssyncset.done $0x0  }
0x61: {  	s30 =	sadd.s32 $0x1400, s28;
	[sflag:s21] =	ssyncadd.s32 $0xFFFFC000  }
0x62: {  	[spmem:s3] =	stream.indirect.scatter.add.f32 [tilespmem:s16], [sflag:$0x3], $0x80, s30, s19, $0xb8;
	[tilespmem:$0x1E800] =	vst v63  }
0x63: {  	_ =	swait.ge [sflag:s17], $0x4000  }
0x64: {  	[sflag:s17] =	ssyncset.done $0x0  }
0x65: {  	s31 =	sadd.s32 $0x100, s28;
	[sflag:s17] =	ssyncadd.s32 $0xFFFFC000  }
0x66: {  	[tilespmem:s16], [sflag:$0x1] =	stream.indirect.gather [hbm4b:s0+s19], $0x80, s31, s19, $0xb8;
	[tilespmem:$0x1E800] =	vst v63  }
0x67: {  	_ =	swait.ge [sflag:s22], $0x4000  }
0x68: {  	[sflag:s22] =	ssyncset.done $0x0  }
0x69: {  	s30 =	sadd.s32 $0x1480, s28;
	[sflag:s22] =	ssyncadd.s32 $0xFFFFC000  }
0x6a: {  	[spmem:s3] =	stream.indirect.scatter.add.f32 [tilespmem:s20], [sflag:$0x3], $0x80, s30, s19, $0xb8;
	[tilespmem:$0x1E800] =	vst v63  }
0x6b: {  	_ =	swait.ge [sflag:s17], $0x4000  }
0x6c: {  	[sflag:s17] =	ssyncset.done $0x0  }
0x6d: {  	[sflag:s17] =	ssyncadd.s32 $0xFFFFC000  }
0x6e: {  	[tilespmem:s20], [sflag:$0x2] =	stream.indirect.gather [hbm4b:s0+s19], $0x80, s23, s19, $0xb8;
	[tilespmem:$0x1E800] =	vst v63  }
0x6f: {  	_ =	swait.ge [sflag:s21], $0x4000  }
0x70: {  	[sflag:s21] =	ssyncset.done $0x0  }
0x71: {  	[sflag:s21] =	ssyncadd.s32 $0xFFFFC000  }
0x72: {  	[spmem:s3] =	stream.indirect.scatter.add.f32 [tilespmem:s16], [sflag:$0x3], $0x80, s24, s19, $0xb8;
	[tilespmem:$0x1E800] =	vst v63  }
0x73: {  	_ =	swait.ge [sflag:s17], $0x4000  }
0x74: {  	[sflag:s17] =	ssyncset.done $0x0  }
0x75: {  	[sflag:s17] =	ssyncadd.s32 $0xFFFFC000  }
0x76: {  	_ =	swait.ge [sflag:s22], $0x4000  }
0x77: {  	[sflag:s22] =	ssyncset.done $0x0  }
0x78: {  	[sflag:s22] =	ssyncadd.s32 $0xFFFFC000  }
0x79: {  	[spmem:s3] =	stream.indirect.scatter.add.f32 [tilespmem:s20], [sflag:$0x3], $0x80, s25, s19, $0xb8;
	[tilespmem:$0x1E800] =	vst v63  }
0x7a: {  	_ =	swait.ge [sflag:s17], $0x4000  }
0x7b: {  	[sflag:s17] =	ssyncset.done $0x0  }
0x7c: {  	s31 =	simm.s32 $0x0;
	[sflag:s17] =	ssyncadd.s32 $0xFFFFC000  }
0x7d: {  	[tilespmem:s31], [sflag:$0x3] =	stream.linear.gather [hbm4b:s12+s31], $0x1400, $0x38;
	[tilespmem:$0x1E800] =	vst v63  }
0x7e: {  	_ =	swait.ge [sflag:s17], $0x1400  }
0x7f: {  	[sflag:s17] =	ssyncset.done $0x0  }
0x80: {  	[sflag:s17] =	ssyncadd.s32 $0xFFFFEC00  }
0x81: {  	[tilespmem:s18], [sflag:$0x3] =	stream.linear.gather [hbm4b:s13+s31], $0x1400, $0x38;
	[tilespmem:$0x1E800] =	vst v63  }
0x82: {  	_ =	swait.ge [sflag:s17], $0x1400  }
0x83: {  	[sflag:s17] =	ssyncset.done $0x0  }
0x84: {  	[sflag:s17] =	ssyncadd.s32 $0xFFFFEC00  }
0x85: {  	[tilespmem:s16], [sflag:$0x1] =	stream.indirect.gather [hbm4b:s0+s19], $0x80, s31, s19, $0xb8;
	[tilespmem:$0x1E800] =	vst v63  }
0x86: {  	s30 =	simm.s32 $0x80  }
0x87: {  	[tilespmem:s20], [sflag:$0x2] =	stream.indirect.gather [hbm4b:s0+s19], $0x80, s30, s19, $0xb8;
	[tilespmem:$0x1E800] =	vst v63  }
0x88: {  	_ =	swait.ge [sflag:s21], $0x4000  }
0x89: {  	[sflag:s21] =	ssyncset.done $0x0  }
0x8a: {  	s31 =	simm.s32 $0x1400;
	[sflag:s21] =	ssyncadd.s32 $0xFFFFC000  }
0x8b: {  	[spmem:s3] =	stream.indirect.scatter.add.f32 [tilespmem:s16], [sflag:$0x3], $0x80, s31, s19, $0xb8;
	[tilespmem:$0x1E800] =	vst v63  }
0x8c: {  	_ =	swait.ge [sflag:s17], $0x4000  }
0x8d: {  	[sflag:s17] =	ssyncset.done $0x0  }
0x8e: {  	s30 =	simm.s32 $0x100;
	[sflag:s17] =	ssyncadd.s32 $0xFFFFC000  }
0x8f: {  	[tilespmem:s16], [sflag:$0x1] =	stream.indirect.gather [hbm4b:s0+s19], $0x80, s30, s19, $0xb8;
	[tilespmem:$0x1E800] =	vst v63  }
0x90: {  	_ =	swait.ge [sflag:s22], $0x4000  }
0x91: {  	[sflag:s22] =	ssyncset.done $0x0  }
0x92: {  	s31 =	simm.s32 $0x1480;
	[sflag:s22] =	ssyncadd.s32 $0xFFFFC000  }
0x93: {  	[spmem:s3] =	stream.indirect.scatter.add.f32 [tilespmem:s20], [sflag:$0x3], $0x80, s31, s19, $0xb8;
	[tilespmem:$0x1E800] =	vst v63  }
0x94: {  	_ =	swait.ge [sflag:s17], $0x4000  }
0x95: {  	s29 =	simm.s32 $0x800;
	s28 =	simm.s32 $0x100;
	[sflag:s17] =	ssyncset.done $0x0  }
.LBB2_6:
0x96: {  	s1 =	sadd.s32 $0x80, s28  }
0x97: {  	[sflag:s17] =	ssyncadd.s32 $0xFFFFC000;
	s30 =	smov.u32 s29;
	s31 =	sadd.s32 $0x400, s29  }
0x98: {  	[tilespmem:s20], [sflag:$0x2] =	stream.indirect.gather [hbm4b:s0+s19], $0x80, s1, s19, $0xb8;
	[tilespmem:$0x1E800] =	vst v63  }
0x99: {  	p0 =	sne.s32 s29, $0x4800;
	_ =	swait.ge [sflag:s21], $0x4000  }
0x9a: {  	[sflag:s21] =	ssyncset.done $0x0  }
0x9b: {  	s1 =	sadd.s32 $0x1400, s28;
	[sflag:s21] =	ssyncadd.s32 $0xFFFFC000  }
0x9c: {  	[spmem:s3] =	stream.indirect.scatter.add.f32 [tilespmem:s16], [sflag:$0x3], $0x80, s1, s19, $0xb8;
	[tilespmem:$0x1E800] =	vst v63  }
0x9d: {  	_ =	swait.ge [sflag:s17], $0x4000  }
0x9e: {  	[sflag:s17] =	ssyncset.done $0x0  }
0x9f: {  	s1 =	sadd.s32 $0x100, s28;
	[sflag:s17] =	ssyncadd.s32 $0xFFFFC000  }
0xa0: {  	[tilespmem:s16], [sflag:$0x1] =	stream.indirect.gather [hbm4b:s0+s19], $0x80, s1, s19, $0xb8;
	[tilespmem:$0x1E800] =	vst v63  }
0xa1: {  	_ =	swait.ge [sflag:s22], $0x4000  }
.Ltmp2:
0xa2: {  	[sflag:s22] =	ssyncset.done $0x0;
	(pc) =	sbr.rel @p0 .LBB2_6-.Ltmp2, $4  }
0xa3: {  	s1 =	sadd.s32 $0x1480, s28;
	[sflag:s22] =	ssyncadd.s32 $0xFFFFC000  }
0xa4: {  	[spmem:s3] =	stream.indirect.scatter.add.f32 [tilespmem:s20], [sflag:$0x3], $0x80, s1, s19, $0xb8;
	[tilespmem:$0x1E800] =	vst v63  }
0xa5: {  	_ =	swait.ge [sflag:s17], $0x4000  }
0xa6: {  	s29 =	smov.u32 s31;
	s28 =	sshra.s32 s30, $0x2;
	[sflag:s17] =	ssyncset.done $0x0  }
0xa7: {  	s1 =	sadd.s32 $0x80, s28;
	[sflag:s17] =	ssyncadd.s32 $0xFFFFC000  }
0xa8: {  	[tilespmem:s20], [sflag:$0x2] =	stream.indirect.gather [hbm4b:s0+s19], $0x80, s1, s19, $0xb8;
	[tilespmem:$0x1E800] =	vst v63  }
0xa9: {  	_ =	swait.ge [sflag:s21], $0x4000  }
0xaa: {  	[sflag:s21] =	ssyncset.done $0x0  }
0xab: {  	s30 =	sadd.s32 $0x1400, s28;
	[sflag:s21] =	ssyncadd.s32 $0xFFFFC000  }
0xac: {  	[spmem:s3] =	stream.indirect.scatter.add.f32 [tilespmem:s16], [sflag:$0x3], $0x80, s30, s19, $0xb8;
	[tilespmem:$0x1E800] =	vst v63  }
0xad: {  	_ =	swait.ge [sflag:s17], $0x4000  }
0xae: {  	[sflag:s17] =	ssyncset.done $0x0  }
0xaf: {  	s31 =	sadd.s32 $0x100, s28;
	[sflag:s17] =	ssyncadd.s32 $0xFFFFC000  }
0xb0: {  	[tilespmem:s16], [sflag:$0x1] =	stream.indirect.gather [hbm4b:s0+s19], $0x80, s31, s19, $0xb8;
	[tilespmem:$0x1E800] =	vst v63  }
0xb1: {  	_ =	swait.ge [sflag:s22], $0x4000  }
0xb2: {  	[sflag:s22] =	ssyncset.done $0x0  }
0xb3: {  	s29 =	sadd.s32 $0x1480, s28;
	[sflag:s22] =	ssyncadd.s32 $0xFFFFC000  }
0xb4: {  	[spmem:s3] =	stream.indirect.scatter.add.f32 [tilespmem:s20], [sflag:$0x3], $0x80, s29, s19, $0xb8;
	[tilespmem:$0x1E800] =	vst v63  }
0xb5: {  	_ =	swait.ge [sflag:s17], $0x4000  }
0xb6: {  	[sflag:s17] =	ssyncset.done $0x0  }
0xb7: {  	[sflag:s17] =	ssyncadd.s32 $0xFFFFC000  }
0xb8: {  	[tilespmem:s20], [sflag:$0x2] =	stream.indirect.gather [hbm4b:s0+s19], $0x80, s23, s19, $0xb8;
	[tilespmem:$0x1E800] =	vst v63  }
0xb9: {  	_ =	swait.ge [sflag:s21], $0x4000  }
0xba: {  	[sflag:s21] =	ssyncset.done $0x0  }
0xbb: {  	[sflag:s21] =	ssyncadd.s32 $0xFFFFC000  }
0xbc: {  	[spmem:s3] =	stream.indirect.scatter.add.f32 [tilespmem:s16], [sflag:$0x3], $0x80, s24, s19, $0xb8;
	[tilespmem:$0x1E800] =	vst v63  }
0xbd: {  	_ =	swait.ge [sflag:s17], $0x4000  }
0xbe: {  	[sflag:s17] =	ssyncset.done $0x0  }
0xbf: {  	[sflag:s17] =	ssyncadd.s32 $0xFFFFC000  }
0xc0: {  	_ =	swait.ge [sflag:s22], $0x4000  }
0xc1: {  	[sflag:s22] =	ssyncset.done $0x0  }
0xc2: {  	[sflag:s22] =	ssyncadd.s32 $0xFFFFC000  }
0xc3: {  	[spmem:s3] =	stream.indirect.scatter.add.f32 [tilespmem:s20], [sflag:$0x3], $0x80, s25, s19, $0xb8;
	[tilespmem:$0x1E800] =	vst v63  }
0xc4: {  	_ =	swait.ge [sflag:s17], $0x4000  }
0xc5: {  	s26 =	sadd.s32 $0x1, s26;
	s30 =	sshll.u32 s2, $0x6;
	[sflag:s17] =	ssyncset.done $0x0  }
0xc6: {  	p0 =	sne.s32 s26, s15;
	s1 =	sor.u32 $0x1C03, s30;
	[sflag:s17] =	ssyncadd.s32 $0xFFFFC000  }
.Ltmp3:
0xc7: {  	s31 =	sshrl.u32 s5, $0x3;
	[bflag:$0x0] =	sbarrier.arrive $0xFFFF;
	(pc) =	sbr.rel @p0 .LBB2_1-.Ltmp3, $4  }
0xc8: {  	[hbm:s14], [sflag:s1] =	dma.local [spmem:s31], $0x2800  }
0xc9: {  	_ =	swait.ge [sflag:s17], $0x2800  }
0xca: {  	[sflag:s17] =	ssyncset.done $0x0  }
0xcb: {  	[sflag:s17] =	ssyncadd.s32 $0xFFFFD800  }
0xcc: {  	_ =	sfence.sel $0x180000  }
0xcd: {  	[bflag:$0x0] =	sbarrier.arrive $0xFFFF  }
0xce: {  	_ =	strace $0x9000004A  }
0xcf: {  	[bflag:$0x2] =	sbarrier.arrive $0xFFFF  }
0xd0: {  	p0 =	sne.s32 s2, $0x0;
	s0 =	rddreg [dreg:$0x3]  }
0xd1: {  	s0 =	sadd.s32 @!p0 $0x100000, s0  }
0xd2: {  	[sflag:s0] =	ssyncadd.tile.s32 @!p0 $0x1;
	_ =	shalt  }
.Lfunc_end2:
_tile_overlayer_lowered:
.L_overlay_start_2:
0xd3: {  	(tag) =	ssettag $0x2  }
0xd4: {  	s0 =	rddreg [dreg:$0x0];
	s2 =	stileid.u32  }
0xd5: {  	s1 =	rddreg [dreg:$0x1];
	p0 =	sne.s32 s2, $0x0  }
0xd6: {  	s3 =	rddreg [dreg:$0x2];
	[bflag:$0x3] =	sbarrier.arrive $0xFFFF;
	s2 =	simm.s32 @!p0 $0x1C03  }
0xd7: {  	[timem:s3], [sflag:s2] =	dma.local @!p0 [hbm:s0], s1  }
0xd8: {  	s0 =	simm.s32 @!p0 $0x3  }
0xd9: {  	_ =	swait.ge @!p0 [sflag:s0], s1  }
0xda: {  	s1 =	ssub.s32 @!p0 $0x0, s1;
	[sflag:s0] =	ssyncset.done @!p0 $0x0  }
0xdb: {  	[sflag:s0] =	ssyncadd.s32 @!p0 s1  }
0xdc: {  	[bflag:$0x3] =	sbarrier.arrive $0xFFFF  }
0xdd: {  	_ =	shalt  }

</sc_bundles>
